<compile_context>
chip_gen: v7x
topology: tpu7x:2x2x1
jax: 0.10.2.dev20260603
libtpu: 0.0.44.dev20260713+nightly
codegen_flags: <defaults>
</compile_context>

<pallas_src>
import functools
import jax
import jax.numpy as jnp
from jax import lax
from jax.experimental import pallas as pl
from jax.experimental.pallas import tpu as pltpu
from jax.experimental.pallas import tpu_sc as plsc

_CHUNK = 64
_L = 16


def _gather_call(B, V, D):
    info = plsc.get_sparse_core_info()
    NW = info.num_cores * info.num_subcores
    b_per_w = B // NW
    n_chunks = b_per_w // _CHUNK
    mesh = plsc.VectorSubcoreMesh(core_axis_name="c", subcore_axis_name="s")

    @functools.partial(
        pl.kernel,
        mesh=mesh,
        out_type=jax.ShapeDtypeStruct((B, D), jnp.float32),
        scratch_types=[
            pltpu.VMEM((b_per_w + _L,), jnp.int32),
            pltpu.VMEM((_CHUNK, D), jnp.float32),
            pltpu.SemaphoreType.DMA,
        ],
    )
    def k(table_hbm, idx_hbm, out_hbm, lab_v, rows_v, sem):
        wid = lax.axis_index("s") * info.num_cores + lax.axis_index("c")
        base = wid * b_per_w
        pltpu.sync_copy(
            idx_hbm.at[pl.ds(base, b_per_w)], lab_v.at[pl.ds(0, b_per_w)]
        )

        def chunk_body(j, _):
            for b in range(_CHUNK):
                lab = lab_v[pl.ds(j * _CHUNK + b, _L)][0]
                pltpu.async_copy(
                    table_hbm.at[pl.ds(lab, 1)],
                    rows_v.at[pl.ds(b, 1)],
                    sem,
                )
            pltpu.make_async_copy(
                table_hbm.at[pl.ds(0, _CHUNK)], rows_v, sem
            ).wait()
            pltpu.sync_copy(rows_v, out_hbm.at[pl.ds(base + j * _CHUNK, _CHUNK)])
            return _

        lax.fori_loop(0, n_chunks, chunk_body, 0)

    return k


def kernel(labels, embeddings):
    (B,) = labels.shape
    V, D = embeddings.shape
    return _gather_call(B, V, D)(embeddings, labels)

# --- scband reference (transcript-rebuilt; emitter-appended) ---
"""Pipeline reference for scband-label-embedding-65481071394850 (READ-ONLY COPY).

The authoritative reference and input builder live on the scoring server;
editing this copy changes nothing except your own understanding.
"""

import math
import jax, jax.numpy as jnp
import numpy as np

NUM_CLASSES = 1000000
DIM = 64
BATCH = 16384


def _build_table():
    positions = jnp.arange(NUM_CLASSES, dtype=jnp.float32)[:, None]
    div = jnp.exp(jnp.arange(0, DIM, 2, dtype=jnp.float32) * -(math.log(10000.0) / DIM))
    emb = jnp.zeros((NUM_CLASSES, DIM), dtype=jnp.float32)
    emb = emb.at[:, 0::2].set(jnp.sin(positions * div))
    emb = emb.at[:, 1::2].set(jnp.cos(positions * div))
    return emb


def setup_inputs(seed: int = 0) -> dict:
    key = jax.random.key(seed)
    labels = jax.random.randint(key, (BATCH,), 0, NUM_CLASSES, dtype=jnp.int32)
    embeddings = _build_table()
    return {"labels": labels, "embeddings": embeddings}


def reference(labels, embeddings):
    # Faithful translation of Label_Embedding.forward: a row-gather from the
    # precomputed sinusoidal table.
    embeds = jnp.take(embeddings, labels, axis=0)
    return embeds

if __name__ == "__main__":
    import jax
    _d = setup_inputs()
    print(jax.jit(kernel)(*tuple(_d.values())))

</pallas_src>

<mosaic_0001>
#map = affine_map<(d0, d1) -> (0, 0)>
#map1 = affine_map<(d0, d1) -> (0)>
module attributes {stable_mosaic.version = 14 : i64} {
  func.func @k(%arg0: i32, %arg1: i32, %arg2: memref<1000000x64xf32, #tpu.memory_space<hbm>>, %arg3: memref<16384xi32, #tpu.memory_space<hbm>>, %arg4: memref<16384x64xf32, #tpu.memory_space<hbm>>, %arg5: memref<528xi32, #tpu.memory_space<vmem>>, %arg6: memref<64x64xf32, #tpu.memory_space<vmem>>, %arg7: memref<!tpu.dma_semaphore, #tpu.memory_space<semaphore_mem>>) attributes {dimension_semantics = [#tpu.dimension_semantics<core_parallel>, #tpu.dimension_semantics<subcore_parallel>], iteration_bounds = array<i64: 2, 16>, scalar_prefetch = 0 : i64, scratch_operands = 3 : i64, tpu.core_type = #tpu.core_type<sc_vector_subcore>, window_params = [{transform_indices = #map}, {transform_indices = #map1}, {transform_indices = #map}]} {
    %mul3A = arith.constant 2 : i32
    %mul3A_0 = arith.muli %arg1, %mul3A : i32
    %add3A = arith.addi %mul3A_0, %arg0 : i32
    %mul3A_1 = arith.constant 512 : i32
    %mul3A_2 = arith.muli %add3A, %mul3A_1 : i32
    "tpu.region"() ({
      %run_scoped3A = tpu.sem_alloc : memref<!tpu.dma_semaphore, #tpu.memory_space<semaphore_mem>>
      %dma_start3A = arith.constant 0 : i32
      %dma_start3A_8 = tpu.memref_slice %arg5[%dma_start3A] : memref<528xi32, #tpu.memory_space<vmem>> -> memref<512xi32, #tpu.memory_space<vmem>>
      %dma_start3A_9 = tpu.memref_slice %arg3[%mul3A_2] : memref<16384xi32, #tpu.memory_space<hbm>> -> memref<512xi32, #tpu.memory_space<hbm>>
      %dma_start3A_10 = arith.constant 0 : i32
      %dma_start3A_11 = tpu.memref_slice %arg5[%dma_start3A_10] : memref<528xi32, #tpu.memory_space<vmem>> -> memref<512xi32, #tpu.memory_space<vmem>>
      %dma_start3A_12 = tpu.memref_slice %arg3[%mul3A_2] : memref<16384xi32, #tpu.memory_space<hbm>> -> memref<512xi32, #tpu.memory_space<hbm>>
      tpu.enqueue_dma source(%dma_start3A_12 : memref<512xi32, #tpu.memory_space<hbm>>) target(%dma_start3A_11 : memref<512xi32, #tpu.memory_space<vmem>>) target_semaphore(%run_scoped3A : memref<!tpu.dma_semaphore, #tpu.memory_space<semaphore_mem>>)
      %dma_wait3A = arith.constant 0 : i32
      %dma_wait3A_13 = tpu.memref_slice %arg5[%dma_wait3A] : memref<528xi32, #tpu.memory_space<vmem>> -> memref<512xi32, #tpu.memory_space<vmem>>
      %dma_wait3A_14 = tpu.memref_slice %arg3[%mul3A_2] : memref<16384xi32, #tpu.memory_space<hbm>> -> memref<512xi32, #tpu.memory_space<hbm>>
      %dma_wait3A_15 = arith.constant 0 : i32
      %dma_wait3A_16 = tpu.memref_slice %arg5[%dma_wait3A_15] : memref<528xi32, #tpu.memory_space<vmem>> -> memref<512xi32, #tpu.memory_space<vmem>>
      %dma_wait3A_17 = tpu.memref_slice %arg3[%mul3A_2] : memref<16384xi32, #tpu.memory_space<hbm>> -> memref<512xi32, #tpu.memory_space<hbm>>
      tpu.wait_dma2 semaphore(%run_scoped3A : memref<!tpu.dma_semaphore, #tpu.memory_space<semaphore_mem>>) src(%dma_wait3A_17 : memref<512xi32, #tpu.memory_space<hbm>>) dst(%dma_wait3A_16 : memref<512xi32, #tpu.memory_space<vmem>>)
      tpu.yield
    }) : () -> ()
    %scan3A = arith.constant 0 : i32
    %scan3A_3 = arith.constant 0 : i32
    %scan3A_4 = arith.constant 8 : i32
    %scan3A_5 = arith.addi %scan3A_3, %scan3A_4 : i32
    %scan3A_6 = arith.constant 1 : i32
    scf.for %scan3A_8 = %scan3A_3 to %scan3A_5 step %scan3A_6  : i32 {
      %mul3A_9 = arith.constant 64 : i32
      %mul3A_10 = arith.muli %scan3A_8, %mul3A_9 : i32
      %add3A_11 = arith.constant 0 : i32
      %add3A_12 = arith.addi %mul3A_10, %add3A_11 : i32
      %get3A = arith.index_cast %add3A_12 : i32 to index
      %get3A_13 = tpu.vector_load %arg5[%get3A] {strides = array<i32>} : memref<528xi32, #tpu.memory_space<vmem>>, vector<16xi32>,
      %get3A_14 = vector.shape_cast %get3A_13 : vector<16xi32> to vector<16xi32>
      %slice3A = vector.extract_strided_slice %get3A_14 {offsets = [0], sizes = [1], strides = [1]} : vector<16xi32> to vector<1xi32>
      %squeeze3A = vector.extract %slice3A[0] : i32 from vector<1xi32>
      %dma_start3A = arith.constant 0 : i32
      %dma_start3A_15 = arith.constant 0 : i32
      %dma_start3A_16 = tpu.memref_slice %arg6[%dma_start3A, %dma_start3A_15] : memref<64x64xf32, #tpu.memory_space<vmem>> -> memref<1x64xf32, #tpu.memory_space<vmem>>
      %dma_start3A_17 = arith.constant 0 : i32
      %dma_start3A_18 = tpu.memref_slice %arg2[%squeeze3A, %dma_start3A_17] : memref<1000000x64xf32, #tpu.memory_space<hbm>> -> memref<1x64xf32, #tpu.memory_space<hbm>>
      %dma_start3A_19 = arith.constant 0 : i32
      %dma_start3A_20 = arith.constant 0 : i32
      %dma_start3A_21 = tpu.memref_slice %arg6[%dma_start3A_19, %dma_start3A_20] : memref<64x64xf32, #tpu.memory_space<vmem>> -> memref<1x64xf32, #tpu.memory_space<vmem>>
      %dma_start3A_22 = arith.constant 0 : i32
      %dma_start3A_23 = tpu.memref_slice %arg2[%squeeze3A, %dma_start3A_22] : memref<1000000x64xf32, #tpu.memory_space<hbm>> -> memref<1x64xf32, #tpu.memory_space<hbm>>
      tpu.enqueue_dma source(%dma_start3A_23 : memref<1x64xf32, #tpu.memory_space<hbm>>) target(%dma_start3A_21 : memref<1x64xf32, #tpu.memory_space<vmem>>) target_semaphore(%arg7 : memref<!tpu.dma_semaphore, #tpu.memory_space<semaphore_mem>>)
      %mul3A_24 = arith.constant 64 : i32
      %mul3A_25 = arith.muli %scan3A_8, %mul3A_24 : i32
      %add3A_26 = arith.constant 1 : i32
      %add3A_27 = arith.addi %mul3A_25, %add3A_26 : i32
      %get3A_28 = arith.index_cast %add3A_27 : i32 to index
      %get3A_29 = tpu.vector_load %arg5[%get3A_28] {strides = array<i32>} : memref<528xi32, #tpu.memory_space<vmem>>, vector<16xi32>,
      %get3A_30 = vector.shape_cast %get3A_29 : vector<16xi32> to vector<16xi32>
      %slice3A_31 = vector.extract_strided_slice %get3A_30 {offsets = [0], sizes = [1], strides = [1]} : vector<16xi32> to vector<1xi32>
      %squeeze3A_32 = vector.extract %slice3A_31[0] : i32 from vector<1xi32>
      %dma_start3A_33 = arith.constant 1 : i32
      %dma_start3A_34 = arith.constant 0 : i32
      %dma_start3A_35 = tpu.memref_slice %arg6[%dma_start3A_33, %dma_start3A_34] : memref<64x64xf32, #tpu.memory_space<vmem>> -> memref<1x64xf32, #tpu.memory_space<vmem>>
      %dma_start3A_36 = arith.constant 0 : i32
      %dma_start3A_37 = tpu.memref_slice %arg2[%squeeze3A_32, %dma_start3A_36] : memref<1000000x64xf32, #tpu.memory_space<hbm>> -> memref<1x64xf32, #tpu.memory_space<hbm>>
      %dma_start3A_38 = arith.constant 1 : i32
      %dma_start3A_39 = arith.constant 0 : i32
      %dma_start3A_40 = tpu.memref_slice %arg6[%dma_start3A_38, %dma_start3A_39] : memref<64x64xf32, #tpu.memory_space<vmem>> -> memref<1x64xf32, #tpu.memory_space<vmem>>
      %dma_start3A_41 = arith.constant 0 : i32
      %dma_start3A_42 = tpu.memref_slice %arg2[%squeeze3A_32, %dma_start3A_41] : memref<1000000x64xf32, #tpu.memory_space<hbm>> -> memref<1x64xf32, #tpu.memory_space<hbm>>
      tpu.enqueue_dma source(%dma_start3A_42 : memref<1x64xf32, #tpu.memory_space<hbm>>) target(%dma_start3A_40 : memref<1x64xf32, #tpu.memory_space<vmem>>) target_semaphore(%arg7 : memref<!tpu.dma_semaphore, #tpu.memory_space<semaphore_mem>>)
      %mul3A_43 = arith.constant 64 : i32
      %mul3A_44 = arith.muli %scan3A_8, %mul3A_43 : i32
      %add3A_45 = arith.constant 2 : i32
      %add3A_46 = arith.addi %mul3A_44, %add3A_45 : i32
      %get3A_47 = arith.index_cast %add3A_46 : i32 to index
      %get3A_48 = tpu.vector_load %arg5[%get3A_47] {strides = array<i32>} : memref<528xi32, #tpu.memory_space<vmem>>, vector<16xi32>,
      %get3A_49 = vector.shape_cast %get3A_48 : vector<16xi32> to vector<16xi32>
      %slice3A_50 = vector.extract_strided_slice %get3A_49 {offsets = [0], sizes = [1], strides = [1]} : vector<16xi32> to vector<1xi32>
      %squeeze3A_51 = vector.extract %slice3A_50[0] : i32 from vector<1xi32>
      %dma_start3A_52 = arith.constant 2 : i32
      %dma_start3A_53 = arith.constant 0 : i32
      %dma_start3A_54 = tpu.memref_slice %arg6[%dma_start3A_52, %dma_start3A_53] : memref<64x64xf32, #tpu.memory_space<vmem>> -> memref<1x64xf32, #tpu.memory_space<vmem>>
      %dma_start3A_55 = arith.constant 0 : i32
      %dma_start3A_56 = tpu.memref_slice %arg2[%squeeze3A_51, %dma_start3A_55] : memref<1000000x64xf32, #tpu.memory_space<hbm>> -> memref<1x64xf32, #tpu.memory_space<hbm>>
      %dma_start3A_57 = arith.constant 2 : i32
      %dma_start3A_58 = arith.constant 0 : i32
      %dma_start3A_59 = tpu.memref_slice %arg6[%dma_start3A_57, %dma_start3A_58] : memref<64x64xf32, #tpu.memory_space<vmem>> -> memref<1x64xf32, #tpu.memory_space<vmem>>
      %dma_start3A_60 = arith.constant 0 : i32
      %dma_start3A_61 = tpu.memref_slice %arg2[%squeeze3A_51, %dma_start3A_60] : memref<1000000x64xf32, #tpu.memory_space<hbm>> -> memref<1x64xf32, #tpu.memory_space<hbm>>
      tpu.enqueue_dma source(%dma_start3A_61 : memref<1x64xf32, #tpu.memory_space<hbm>>) target(%dma_start3A_59 : memref<1x64xf32, #tpu.memory_space<vmem>>) target_semaphore(%arg7 : memref<!tpu.dma_semaphore, #tpu.memory_space<semaphore_mem>>)
      %mul3A_62 = arith.constant 64 : i32
      %mul3A_63 = arith.muli %scan3A_8, %mul3A_62 : i32
      %add3A_64 = arith.constant 3 : i32
      %add3A_65 = arith.addi %mul3A_63, %add3A_64 : i32
      %get3A_66 = arith.index_cast %add3A_65 : i32 to index
      %get3A_67 = tpu.vector_load %arg5[%get3A_66] {strides = array<i32>} : memref<528xi32, #tpu.memory_space<vmem>>, vector<16xi32>,
      %get3A_68 = vector.shape_cast %get3A_67 : vector<16xi32> to vector<16xi32>
      %slice3A_69 = vector.extract_strided_slice %get3A_68 {offsets = [0], sizes = [1], strides = [1]} : vector<16xi32> to vector<1xi32>
      %squeeze3A_70 = vector.extract %slice3A_69[0] : i32 from vector<1xi32>
      %dma_start3A_71 = arith.constant 3 : i32
      %dma_start3A_72 = arith.constant 0 : i32
      %dma_start3A_73 = tpu.memref_slice %arg6[%dma_start3A_71, %dma_start3A_72] : memref<64x64xf32, #tpu.memory_space<vmem>> -> memref<1x64xf32, #tpu.memory_space<vmem>>
      %dma_start3A_74 = arith.constant 0 : i32
      %dma_start3A_75 = tpu.memref_slice %arg2[%squeeze3A_70, %dma_start3A_74] : memref<1000000x64xf32, #tpu.memory_space<hbm>> -> memref<1x64xf32, #tpu.memory_space<hbm>>
      %dma_start3A_76 = arith.constant 3 : i32
      %dma_start3A_77 = arith.constant 0 : i32
      %dma_start3A_78 = tpu.memref_slice %arg6[%dma_start3A_76, %dma_start3A_77] : memref<64x64xf32, #tpu.memory_space<vmem>> -> memref<1x64xf32, #tpu.memory_space<vmem>>
      %dma_start3A_79 = arith.constant 0 : i32
      %dma_start3A_80 = tpu.memref_slice %arg2[%squeeze3A_70, %dma_start3A_79] : memref<1000000x64xf32, #tpu.memory_space<hbm>> -> memref<1x64xf32, #tpu.memory_space<hbm>>
      tpu.enqueue_dma source(%dma_start3A_80 : memref<1x64xf32, #tpu.memory_space<hbm>>) target(%dma_start3A_78 : memref<1x64xf32, #tpu.memory_space<vmem>>) target_semaphore(%arg7 : memref<!tpu.dma_semaphore, #tpu.memory_space<semaphore_mem>>)
      %mul3A_81 = arith.constant 64 : i32
      %mul3A_82 = arith.muli %scan3A_8, %mul3A_81 : i32
      %add3A_83 = arith.constant 4 : i32
      %add3A_84 = arith.addi %mul3A_82, %add3A_83 : i32
      %get3A_85 = arith.index_cast %add3A_84 : i32 to index
      %get3A_86 = tpu.vector_load %arg5[%get3A_85] {strides = array<i32>} : memref<528xi32, #tpu.memory_space<vmem>>, vector<16xi32>,
      %get3A_87 = vector.shape_cast %get3A_86 : vector<16xi32> to vector<16xi32>
      %slice3A_88 = vector.extract_strided_slice %get3A_87 {offsets = [0], sizes = [1], strides = [1]} : vector<16xi32> to vector<1xi32>
      %squeeze3A_89 = vector.extract %slice3A_88[0] : i32 from vector<1xi32>
      %dma_start3A_90 = arith.constant 4 : i32
      %dma_start3A_91 = arith.constant 0 : i32
      %dma_start3A_92 = tpu.memref_slice %arg6[%dma_start3A_90, %dma_start3A_91] : memref<64x64xf32, #tpu.memory_space<vmem>> -> memref<1x64xf32, #tpu.memory_space<vmem>>
      %dma_start3A_93 = arith.constant 0 : i32
      %dma_start3A_94 = tpu.memref_slice %arg2[%squeeze3A_89, %dma_start3A_93] : memref<1000000x64xf32, #tpu.memory_space<hbm>> -> memref<1x64xf32, #tpu.memory_space<hbm>>
      %dma_start3A_95 = arith.constant 4 : i32
      %dma_start3A_96 = arith.constant 0 : i32
      %dma_start3A_97 = tpu.memref_slice %arg6[%dma_start3A_95, %dma_start3A_96] : memref<64x64xf32, #tpu.memory_space<vmem>> -> memref<1x64xf32, #tpu.memory_space<vmem>>
      %dma_start3A_98 = arith.constant 0 : i32
      %dma_start3A_99 = tpu.memref_slice %arg2[%squeeze3A_89, %dma_start3A_98] : memref<1000000x64xf32, #tpu.memory_space<hbm>> -> memref<1x64xf32, #tpu.memory_space<hbm>>
      tpu.enqueue_dma source(%dma_start3A_99 : memref<1x64xf32, #tpu.memory_space<hbm>>) target(%dma_start3A_97 : memref<1x64xf32, #tpu.memory_space<vmem>>) target_semaphore(%arg7 : memref<!tpu.dma_semaphore, #tpu.memory_space<semaphore_mem>>)
      %mul3A_100 = arith.constant 64 : i32
      %mul3A_101 = arith.muli %scan3A_8, %mul3A_100 : i32
      %add3A_102 = arith.constant 5 : i32
      %add3A_103 = arith.addi %mul3A_101, %add3A_102 : i32
      %get3A_104 = arith.index_cast %add3A_103 : i32 to index
      %get3A_105 = tpu.vector_load %arg5[%get3A_104] {strides = array<i32>} : memref<528xi32, #tpu.memory_space<vmem>>, vector<16xi32>,
      %get3A_106 = vector.shape_cast %get3A_105 : vector<16xi32> to vector<16xi32>
      %slice3A_107 = vector.extract_strided_slice %get3A_106 {offsets = [0], sizes = [1], strides = [1]} : vector<16xi32> to vector<1xi32>
      %squeeze3A_108 = vector.extract %slice3A_107[0] : i32 from vector<1xi32>
      %dma_start3A_109 = arith.constant 5 : i32
      %dma_start3A_110 = arith.constant 0 : i32
      %dma_start3A_111 = tpu.memref_slice %arg6[%dma_start3A_109, %dma_start3A_110] : memref<64x64xf32, #tpu.memory_space<vmem>> -> memref<1x64xf32, #tpu.memory_space<vmem>>
      %dma_start3A_112 = arith.constant 0 : i32
      %dma_start3A_113 = tpu.memref_slice %arg2[%squeeze3A_108, %dma_start3A_112] : memref<1000000x64xf32, #tpu.memory_space<hbm>> -> memref<1x64xf32, #tpu.memory_space<hbm>>
      %dma_start3A_114 = arith.constant 5 : i32
      %dma_start3A_115 = arith.constant 0 : i32
      %dma_start3A_116 = tpu.memref_slice %arg6[%dma_start3A_114, %dma_start3A_115] : memref<64x64xf32, #tpu.memory_space<vmem>> -> memref<1x64xf32, #tpu.memory_space<vmem>>
      %dma_start3A_117 = arith.constant 0 : i32
      %dma_start3A_118 = tpu.memref_slice %arg2[%squeeze3A_108, %dma_start3A_117] : memref<1000000x64xf32, #tpu.memory_space<hbm>> -> memref<1x64xf32, #tpu.memory_space<hbm>>
      tpu.enqueue_dma source(%dma_start3A_118 : memref<1x64xf32, #tpu.memory_space<hbm>>) target(%dma_start3A_116 : memref<1x64xf32, #tpu.memory_space<vmem>>) target_semaphore(%arg7 : memref<!tpu.dma_semaphore, #tpu.memory_space<semaphore_mem>>)
      %mul3A_119 = arith.constant 64 : i32
      %mul3A_120 = arith.muli %scan3A_8, %mul3A_119 : i32
      %add3A_121 = arith.constant 6 : i32
      %add3A_122 = arith.addi %mul3A_120, %add3A_121 : i32
      %get3A_123 = arith.index_cast %add3A_122 : i32 to index
      %get3A_124 = tpu.vector_load %arg5[%get3A_123] {strides = array<i32>} : memref<528xi32, #tpu.memory_space<vmem>>, vector<16xi32>,
      %get3A_125 = vector.shape_cast %get3A_124 : vector<16xi32> to vector<16xi32>
      %slice3A_126 = vector.extract_strided_slice %get3A_125 {offsets = [0], sizes = [1], strides = [1]} : vector<16xi32> to vector<1xi32>
      %squeeze3A_127 = vector.extract %slice3A_126[0] : i32 from vector<1xi32>
      %dma_start3A_128 = arith.constant 6 : i32
      %dma_start3A_129 = arith.constant 0 : i32
      %dma_start3A_130 = tpu.memref_slice %arg6[%dma_start3A_128, %dma_start3A_129] : memref<64x64xf32, #tpu.memory_space<vmem>> -> memref<1x64xf32, #tpu.memory_space<vmem>>
      %dma_start3A_131 = arith.constant 0 : i32
      %dma_start3A_132 = tpu.memref_slice %arg2[%squeeze3A_127, %dma_start3A_131] : memref<1000000x64xf32, #tpu.memory_space<hbm>> -> memref<1x64xf32, #tpu.memory_space<hbm>>
      %dma_start3A_133 = arith.constant 6 : i32
      %dma_start3A_134 = arith.constant 0 : i32
      %dma_start3A_135 = tpu.memref_slice %arg6[%dma_start3A_133, %dma_start3A_134] : memref<64x64xf32, #tpu.memory_space<vmem>> -> memref<1x64xf32, #tpu.memory_space<vmem>>
      %dma_start3A_136 = arith.constant 0 : i32
      %dma_start3A_137 = tpu.memref_slice %arg2[%squeeze3A_127, %dma_start3A_136] : memref<1000000x64xf32, #tpu.memory_space<hbm>> -> memref<1x64xf32, #tpu.memory_space<hbm>>
      tpu.enqueue_dma source(%dma_start3A_137 : memref<1x64xf32, #tpu.memory_space<hbm>>) target(%dma_start3A_135 : memref<1x64xf32, #tpu.memory_space<vmem>>) target_semaphore(%arg7 : memref<!tpu.dma_semaphore, #tpu.memory_space<semaphore_mem>>)
      %mul3A_138 = arith.constant 64 : i32
      %mul3A_139 = arith.muli %scan3A_8, %mul3A_138 : i32
      %add3A_140 = arith.constant 7 : i32
      %add3A_141 = arith.addi %mul3A_139, %add3A_140 : i32
      %get3A_142 = arith.index_cast %add3A_141 : i32 to index
      %get3A_143 = tpu.vector_load %arg5[%get3A_142] {strides = array<i32>} : memref<528xi32, #tpu.memory_space<vmem>>, vector<16xi32>,
      %get3A_144 = vector.shape_cast %get3A_143 : vector<16xi32> to vector<16xi32>
      %slice3A_145 = vector.extract_strided_slice %get3A_144 {offsets = [0], sizes = [1], strides = [1]} : vector<16xi32> to vector<1xi32>
      %squeeze3A_146 = vector.extract %slice3A_145[0] : i32 from vector<1xi32>
      %dma_start3A_147 = arith.constant 7 : i32
      %dma_start3A_148 = arith.constant 0 : i32
      %dma_start3A_149 = tpu.memref_slice %arg6[%dma_start3A_147, %dma_start3A_148] : memref<64x64xf32, #tpu.memory_space<vmem>> -> memref<1x64xf32, #tpu.memory_space<vmem>>
      %dma_start3A_150 = arith.constant 0 : i32
      %dma_start3A_151 = tpu.memref_slice %arg2[%squeeze3A_146, %dma_start3A_150] : memref<1000000x64xf32, #tpu.memory_space<hbm>> -> memref<1x64xf32, #tpu.memory_space<hbm>>
      %dma_start3A_152 = arith.constant 7 : i32
      %dma_start3A_153 = arith.constant 0 : i32
      %dma_start3A_154 = tpu.memref_slice %arg6[%dma_start3A_152, %dma_start3A_153] : memref<64x64xf32, #tpu.memory_space<vmem>> -> memref<1x64xf32, #tpu.memory_space<vmem>>
      %dma_start3A_155 = arith.constant 0 : i32
      %dma_start3A_156 = tpu.memref_slice %arg2[%squeeze3A_146, %dma_start3A_155] : memref<1000000x64xf32, #tpu.memory_space<hbm>> -> memref<1x64xf32, #tpu.memory_space<hbm>>
      tpu.enqueue_dma source(%dma_start3A_156 : memref<1x64xf32, #tpu.memory_space<hbm>>) target(%dma_start3A_154 : memref<1x64xf32, #tpu.memory_space<vmem>>) target_semaphore(%arg7 : memref<!tpu.dma_semaphore, #tpu.memory_space<semaphore_mem>>)
      %mul3A_157 = arith.constant 64 : i32
      %mul3A_158 = arith.muli %scan3A_8, %mul3A_157 : i32
      %add3A_159 = arith.constant 8 : i32
      %add3A_160 = arith.addi %mul3A_158, %add3A_159 : i32
      %get3A_161 = arith.index_cast %add3A_160 : i32 to index
      %get3A_162 = tpu.vector_load %arg5[%get3A_161] {strides = array<i32>} : memref<528xi32, #tpu.memory_space<vmem>>, vector<16xi32>,
      %get3A_163 = vector.shape_cast %get3A_162 : vector<16xi32> to vector<16xi32>
      %slice3A_164 = vector.extract_strided_slice %get3A_163 {offsets = [0], sizes = [1], strides = [1]} : vector<16xi32> to vector<1xi32>
      %squeeze3A_165 = vector.extract %slice3A_164[0] : i32 from vector<1xi32>
      %dma_start3A_166 = arith.constant 8 : i32
      %dma_start3A_167 = arith.constant 0 : i32
      %dma_start3A_168 = tpu.memref_slice %arg6[%dma_start3A_166, %dma_start3A_167] : memref<64x64xf32, #tpu.memory_space<vmem>> -> memref<1x64xf32, #tpu.memory_space<vmem>>
      %dma_start3A_169 = arith.constant 0 : i32
      %dma_start3A_170 = tpu.memref_slice %arg2[%squeeze3A_165, %dma_start3A_169] : memref<1000000x64xf32, #tpu.memory_space<hbm>> -> memref<1x64xf32, #tpu.memory_space<hbm>>
      %dma_start3A_171 = arith.constant 8 : i32
      %dma_start3A_172 = arith.constant 0 : i32
      %dma_start3A_173 = tpu.memref_slice %arg6[%dma_start3A_171, %dma_start3A_172] : memref<64x64xf32, #tpu.memory_space<vmem>> -> memref<1x64xf32, #tpu.memory_space<vmem>>
      %dma_start3A_174 = arith.constant 0 : i32
      %dma_start3A_175 = tpu.memref_slice %arg2[%squeeze3A_165, %dma_start3A_174] : memref<1000000x64xf32, #tpu.memory_space<hbm>> -> memref<1x64xf32, #tpu.memory_space<hbm>>
      tpu.enqueue_dma source(%dma_start3A_175 : memref<1x64xf32, #tpu.memory_space<hbm>>) target(%dma_start3A_173 : memref<1x64xf32, #tpu.memory_space<vmem>>) target_semaphore(%arg7 : memref<!tpu.dma_semaphore, #tpu.memory_space<semaphore_mem>>)
      %mul3A_176 = arith.constant 64 : i32
      %mul3A_177 = arith.muli %scan3A_8, %mul3A_176 : i32
      %add3A_178 = arith.constant 9 : i32
      %add3A_179 = arith.addi %mul3A_177, %add3A_178 : i32
      %get3A_180 = arith.index_cast %add3A_179 : i32 to index
      %get3A_181 = tpu.vector_load %arg5[%get3A_180] {strides = array<i32>} : memref<528xi32, #tpu.memory_space<vmem>>, vector<16xi32>,
      %get3A_182 = vector.shape_cast %get3A_181 : vector<16xi32> to vector<16xi32>
      %slice3A_183 = vector.extract_strided_slice %get3A_182 {offsets = [0], sizes = [1], strides = [1]} : vector<16xi32> to vector<1xi32>
      %squeeze3A_184 = vector.extract %slice3A_183[0] : i32 from vector<1xi32>
      %dma_start3A_185 = arith.constant 9 : i32
      %dma_start3A_186 = arith.constant 0 : i32
      %dma_start3A_187 = tpu.memref_slice %arg6[%dma_start3A_185, %dma_start3A_186] : memref<64x64xf32, #tpu.memory_space<vmem>> -> memref<1x64xf32, #tpu.memory_space<vmem>>
      %dma_start3A_188 = arith.constant 0 : i32
      %dma_start3A_189 = tpu.memref_slice %arg2[%squeeze3A_184, %dma_start3A_188] : memref<1000000x64xf32, #tpu.memory_space<hbm>> -> memref<1x64xf32, #tpu.memory_space<hbm>>
      %dma_start3A_190 = arith.constant 9 : i32
      %dma_start3A_191 = arith.constant 0 : i32
      %dma_start3A_192 = tpu.memref_slice %arg6[%dma_start3A_190, %dma_start3A_191] : memref<64x64xf32, #tpu.memory_space<vmem>> -> memref<1x64xf32, #tpu.memory_space<vmem>>
      %dma_start3A_193 = arith.constant 0 : i32
      %dma_start3A_194 = tpu.memref_slice %arg2[%squeeze3A_184, %dma_start3A_193] : memref<1000000x64xf32, #tpu.memory_space<hbm>> -> memref<1x64xf32, #tpu.memory_space<hbm>>
      tpu.enqueue_dma source(%dma_start3A_194 : memref<1x64xf32, #tpu.memory_space<hbm>>) target(%dma_start3A_192 : memref<1x64xf32, #tpu.memory_space<vmem>>) target_semaphore(%arg7 : memref<!tpu.dma_semaphore, #tpu.memory_space<semaphore_mem>>)
      %mul3A_195 = arith.constant 64 : i32
      %mul3A_196 = arith.muli %scan3A_8, %mul3A_195 : i32
      %add3A_197 = arith.constant 10 : i32
      %add3A_198 = arith.addi %mul3A_196, %add3A_197 : i32
      %get3A_199 = arith.index_cast %add3A_198 : i32 to index
      %get3A_200 = tpu.vector_load %arg5[%get3A_199] {strides = array<i32>} : memref<528xi32, #tpu.memory_space<vmem>>, vector<16xi32>,
      %get3A_201 = vector.shape_cast %get3A_200 : vector<16xi32> to vector<16xi32>
      %slice3A_202 = vector.extract_strided_slice %get3A_201 {offsets = [0], sizes = [1], strides = [1]} : vector<16xi32> to vector<1xi32>
      %squeeze3A_203 = vector.extract %slice3A_202[0] : i32 from vector<1xi32>
      %dma_start3A_204 = arith.constant 10 : i32
      %dma_start3A_205 = arith.constant 0 : i32
      %dma_start3A_206 = tpu.memref_slice %arg6[%dma_start3A_204, %dma_start3A_205] : memref<64x64xf32, #tpu.memory_space<vmem>> -> memref<1x64xf32, #tpu.memory_space<vmem>>
      %dma_start3A_207 = arith.constant 0 : i32
      %dma_start3A_208 = tpu.memref_slice %arg2[%squeeze3A_203, %dma_start3A_207] : memref<1000000x64xf32, #tpu.memory_space<hbm>> -> memref<1x64xf32, #tpu.memory_space<hbm>>
      %dma_start3A_209 = arith.constant 10 : i32
      %dma_start3A_210 = arith.constant 0 : i32
      %dma_start3A_211 = tpu.memref_slice %arg6[%dma_start3A_209, %dma_start3A_210] : memref<64x64xf32, #tpu.memory_space<vmem>> -> memref<1x64xf32, #tpu.memory_space<vmem>>
      %dma_start3A_212 = arith.constant 0 : i32
      %dma_start3A_213 = tpu.memref_slice %arg2[%squeeze3A_203, %dma_start3A_212] : memref<1000000x64xf32, #tpu.memory_space<hbm>> -> memref<1x64xf32, #tpu.memory_space<hbm>>
      tpu.enqueue_dma source(%dma_start3A_213 : memref<1x64xf32, #tpu.memory_space<hbm>>) target(%dma_start3A_211 : memref<1x64xf32, #tpu.memory_space<vmem>>) target_semaphore(%arg7 : memref<!tpu.dma_semaphore, #tpu.memory_space<semaphore_mem>>)
      %mul3A_214 = arith.constant 64 : i32
      %mul3A_215 = arith.muli %scan3A_8, %mul3A_214 : i32
      %add3A_216 = arith.constant 11 : i32
      %add3A_217 = arith.addi %mul3A_215, %add3A_216 : i32
      %get3A_218 = arith.index_cast %add3A_217 : i32 to index
      %get3A_219 = tpu.vector_load %arg5[%get3A_218] {strides = array<i32>} : memref<528xi32, #tpu.memory_space<vmem>>, vector<16xi32>,
      %get3A_220 = vector.shape_cast %get3A_219 : vector<16xi32> to vector<16xi32>
      %slice3A_221 = vector.extract_strided_slice %get3A_220 {offsets = [0], sizes = [1], strides = [1]} : vector<16xi32> to vector<1xi32>
      %squeeze3A_222 = vector.extract %slice3A_221[0] : i32 from vector<1xi32>
      %dma_start3A_223 = arith.constant 11 : i32
      %dma_start3A_224 = arith.constant 0 : i32
      %dma_start3A_225 = tpu.memref_slice %arg6[%dma_start3A_223, %dma_start3A_224] : memref<64x64xf32, #tpu.memory_space<vmem>> -> memref<1x64xf32, #tpu.memory_space<vmem>>
      %dma_start3A_226 = arith.constant 0 : i32
      %dma_start3A_227 = tpu.memref_slice %arg2[%squeeze3A_222, %dma_start3A_226] : memref<1000000x64xf32, #tpu.memory_space<hbm>> -> memref<1x64xf32, #tpu.memory_space<hbm>>
      %dma_start3A_228 = arith.constant 11 : i32
      %dma_start3A_229 = arith.constant 0 : i32
      %dma_start3A_230 = tpu.memref_slice %arg6[%dma_start3A_228, %dma_start3A_229] : memref<64x64xf32, #tpu.memory_space<vmem>> -> memref<1x64xf32, #tpu.memory_space<vmem>>
      %dma_start3A_231 = arith.constant 0 : i32
      %dma_start3A_232 = tpu.memref_slice %arg2[%squeeze3A_222, %dma_start3A_231] : memref<1000000x64xf32, #tpu.memory_space<hbm>> -> memref<1x64xf32, #tpu.memory_space<hbm>>
      tpu.enqueue_dma source(%dma_start3A_232 : memref<1x64xf32, #tpu.memory_space<hbm>>) target(%dma_start3A_230 : memref<1x64xf32, #tpu.memory_space<vmem>>) target_semaphore(%arg7 : memref<!tpu.dma_semaphore, #tpu.memory_space<semaphore_mem>>)
      %mul3A_233 = arith.constant 64 : i32
      %mul3A_234 = arith.muli %scan3A_8, %mul3A_233 : i32
      %add3A_235 = arith.constant 12 : i32
      %add3A_236 = arith.addi %mul3A_234, %add3A_235 : i32
      %get3A_237 = arith.index_cast %add3A_236 : i32 to index
      %get3A_238 = tpu.vector_load %arg5[%get3A_237] {strides = array<i32>} : memref<528xi32, #tpu.memory_space<vmem>>, vector<16xi32>,
      %get3A_239 = vector.shape_cast %get3A_238 : vector<16xi32> to vector<16xi32>
      %slice3A_240 = vector.extract_strided_slice %get3A_239 {offsets = [0], sizes = [1], strides = [1]} : vector<16xi32> to vector<1xi32>
      %squeeze3A_241 = vector.extract %slice3A_240[0] : i32 from vector<1xi32>
      %dma_start3A_242 = arith.constant 12 : i32
      %dma_start3A_243 = arith.constant 0 : i32
      %dma_start3A_244 = tpu.memref_slice %arg6[%dma_start3A_242, %dma_start3A_243] : memref<64x64xf32, #tpu.memory_space<vmem>> -> memref<1x64xf32, #tpu.memory_space<vmem>>
      %dma_start3A_245 = arith.constant 0 : i32
      %dma_start3A_246 = tpu.memref_slice %arg2[%squeeze3A_241, %dma_start3A_245] : memref<1000000x64xf32, #tpu.memory_space<hbm>> -> memref<1x64xf32, #tpu.memory_space<hbm>>
      %dma_start3A_247 = arith.constant 12 : i32
      %dma_start3A_248 = arith.constant 0 : i32
      %dma_start3A_249 = tpu.memref_slice %arg6[%dma_start3A_247, %dma_start3A_248] : memref<64x64xf32, #tpu.memory_space<vmem>> -> memref<1x64xf32, #tpu.memory_space<vmem>>
      %dma_start3A_250 = arith.constant 0 : i32
      %dma_start3A_251 = tpu.memref_slice %arg2[%squeeze3A_241, %dma_start3A_250] : memref<1000000x64xf32, #tpu.memory_space<hbm>> -> memref<1x64xf32, #tpu.memory_space<hbm>>
      tpu.enqueue_dma source(%dma_start3A_251 : memref<1x64xf32, #tpu.memory_space<hbm>>) target(%dma_start3A_249 : memref<1x64xf32, #tpu.memory_space<vmem>>) target_semaphore(%arg7 : memref<!tpu.dma_semaphore, #tpu.memory_space<semaphore_mem>>)
      %mul3A_252 = arith.constant 64 : i32
      %mul3A_253 = arith.muli %scan3A_8, %mul3A_252 : i32
      %add3A_254 = arith.constant 13 : i32
      %add3A_255 = arith.addi %mul3A_253, %add3A_254 : i32
      %get3A_256 = arith.index_cast %add3A_255 : i32 to index
      %get3A_257 = tpu.vector_load %arg5[%get3A_256] {strides = array<i32>} : memref<528xi32, #tpu.memory_space<vmem>>, vector<16xi32>,
      %get3A_258 = vector.shape_cast %get3A_257 : vector<16xi32> to vector<16xi32>
      %slice3A_259 = vector.extract_strided_slice %get3A_258 {offsets = [0], sizes = [1], strides = [1]} : vector<16xi32> to vector<1xi32>
      %squeeze3A_260 = vector.extract %slice3A_259[0] : i32 from vector<1xi32>
      %dma_start3A_261 = arith.constant 13 : i32
      %dma_start3A_262 = arith.constant 0 : i32
      %dma_start3A_263 = tpu.memref_slice %arg6[%dma_start3A_261, %dma_start3A_262] : memref<64x64xf32, #tpu.memory_space<vmem>> -> memref<1x64xf32, #tpu.memory_space<vmem>>
      %dma_start3A_264 = arith.constant 0 : i32
      %dma_start3A_265 = tpu.memref_slice %arg2[%squeeze3A_260, %dma_start3A_264] : memref<1000000x64xf32, #tpu.memory_space<hbm>> -> memref<1x64xf32, #tpu.memory_space<hbm>>
      %dma_start3A_266 = arith.constant 13 : i32
      %dma_start3A_267 = arith.constant 0 : i32
      %dma_start3A_268 = tpu.memref_slice %arg6[%dma_start3A_266, %dma_start3A_267] : memref<64x64xf32, #tpu.memory_space<vmem>> -> memref<1x64xf32, #tpu.memory_space<vmem>>
      %dma_start3A_269 = arith.constant 0 : i32
      %dma_start3A_270 = tpu.memref_slice %arg2[%squeeze3A_260, %dma_start3A_269] : memref<1000000x64xf32, #tpu.memory_space<hbm>> -> memref<1x64xf32, #tpu.memory_space<hbm>>
      tpu.enqueue_dma source(%dma_start3A_270 : memref<1x64xf32, #tpu.memory_space<hbm>>) target(%dma_start3A_268 : memref<1x64xf32, #tpu.memory_space<vmem>>) target_semaphore(%arg7 : memref<!tpu.dma_semaphore, #tpu.memory_space<semaphore_mem>>)
      %mul3A_271 = arith.constant 64 : i32
      %mul3A_272 = arith.muli %scan3A_8, %mul3A_271 : i32
      %add3A_273 = arith.constant 14 : i32
      %add3A_274 = arith.addi %mul3A_272, %add3A_273 : i32
      %get3A_275 = arith.index_cast %add3A_274 : i32 to index
      %get3A_276 = tpu.vector_load %arg5[%get3A_275] {strides = array<i32>} : memref<528xi32, #tpu.memory_space<vmem>>, vector<16xi32>,
      %get3A_277 = vector.shape_cast %get3A_276 : vector<16xi32> to vector<16xi32>
      %slice3A_278 = vector.extract_strided_slice %get3A_277 {offsets = [0], sizes = [1], strides = [1]} : vector<16xi32> to vector<1xi32>
      %squeeze3A_279 = vector.extract %slice3A_278[0] : i32 from vector<1xi32>
      %dma_start3A_280 = arith.constant 14 : i32
      %dma_start3A_281 = arith.constant 0 : i32
      %dma_start3A_282 = tpu.memref_slice %arg6[%dma_start3A_280, %dma_start3A_281] : memref<64x64xf32, #tpu.memory_space<vmem>> -> memref<1x64xf32, #tpu.memory_space<vmem>>
      %dma_start3A_283 = arith.constant 0 : i32
      %dma_start3A_284 = tpu.memref_slice %arg2[%squeeze3A_279, %dma_start3A_283] : memref<1000000x64xf32, #tpu.memory_space<hbm>> -> memref<1x64xf32, #tpu.memory_space<hbm>>
      %dma_start3A_285 = arith.constant 14 : i32
      %dma_start3A_286 = arith.constant 0 : i32
      %dma_start3A_287 = tpu.memref_slice %arg6[%dma_start3A_285, %dma_start3A_286] : memref<64x64xf32, #tpu.memory_space<vmem>> -> memref<1x64xf32, #tpu.memory_space<vmem>>
      %dma_start3A_288 = arith.constant 0 : i32
      %dma_start3A_289 = tpu.memref_slice %arg2[%squeeze3A_279, %dma_start3A_288] : memref<1000000x64xf32, #tpu.memory_space<hbm>> -> memref<1x64xf32, #tpu.memory_space<hbm>>
      tpu.enqueue_dma source(%dma_start3A_289 : memref<1x64xf32, #tpu.memory_space<hbm>>) target(%dma_start3A_287 : memref<1x64xf32, #tpu.memory_space<vmem>>) target_semaphore(%arg7 : memref<!tpu.dma_semaphore, #tpu.memory_space<semaphore_mem>>)
      %mul3A_290 = arith.constant 64 : i32
      %mul3A_291 = arith.muli %scan3A_8, %mul3A_290 : i32
      %add3A_292 = arith.constant 15 : i32
      %add3A_293 = arith.addi %mul3A_291, %add3A_292 : i32
      %get3A_294 = arith.index_cast %add3A_293 : i32 to index
      %get3A_295 = tpu.vector_load %arg5[%get3A_294] {strides = array<i32>} : memref<528xi32, #tpu.memory_space<vmem>>, vector<16xi32>,
      %get3A_296 = vector.shape_cast %get3A_295 : vector<16xi32> to vector<16xi32>
      %slice3A_297 = vector.extract_strided_slice %get3A_296 {offsets = [0], sizes = [1], strides = [1]} : vector<16xi32> to vector<1xi32>
      %squeeze3A_298 = vector.extract %slice3A_297[0] : i32 from vector<1xi32>
      %dma_start3A_299 = arith.constant 15 : i32
      %dma_start3A_300 = arith.constant 0 : i32
      %dma_start3A_301 = tpu.memref_slice %arg6[%dma_start3A_299, %dma_start3A_300] : memref<64x64xf32, #tpu.memory_space<vmem>> -> memref<1x64xf32, #tpu.memory_space<vmem>>
      %dma_start3A_302 = arith.constant 0 : i32
      %dma_start3A_303 = tpu.memref_slice %arg2[%squeeze3A_298, %dma_start3A_302] : memref<1000000x64xf32, #tpu.memory_space<hbm>> -> memref<1x64xf32, #tpu.memory_space<hbm>>
      %dma_start3A_304 = arith.constant 15 : i32
      %dma_start3A_305 = arith.constant 0 : i32
      %dma_start3A_306 = tpu.memref_slice %arg6[%dma_start3A_304, %dma_start3A_305] : memref<64x64xf32, #tpu.memory_space<vmem>> -> memref<1x64xf32, #tpu.memory_space<vmem>>
      %dma_start3A_307 = arith.constant 0 : i32
      %dma_start3A_308 = tpu.memref_slice %arg2[%squeeze3A_298, %dma_start3A_307] : memref<1000000x64xf32, #tpu.memory_space<hbm>> -> memref<1x64xf32, #tpu.memory_space<hbm>>
      tpu.enqueue_dma source(%dma_start3A_308 : memref<1x64xf32, #tpu.memory_space<hbm>>) target(%dma_start3A_306 : memref<1x64xf32, #tpu.memory_space<vmem>>) target_semaphore(%arg7 : memref<!tpu.dma_semaphore, #tpu.memory_space<semaphore_mem>>)
      %mul3A_309 = arith.constant 64 : i32
      %mul3A_310 = arith.muli %scan3A_8, %mul3A_309 : i32
      %add3A_311 = arith.constant 16 : i32
      %add3A_312 = arith.addi %mul3A_310, %add3A_311 : i32
      %get3A_313 = arith.index_cast %add3A_312 : i32 to index
      %get3A_314 = tpu.vector_load %arg5[%get3A_313] {strides = array<i32>} : memref<528xi32, #tpu.memory_space<vmem>>, vector<16xi32>,
      %get3A_315 = vector.shape_cast %get3A_314 : vector<16xi32> to vector<16xi32>
      %slice3A_316 = vector.extract_strided_slice %get3A_315 {offsets = [0], sizes = [1], strides = [1]} : vector<16xi32> to vector<1xi32>
      %squeeze3A_317 = vector.extract %slice3A_316[0] : i32 from vector<1xi32>
      %dma_start3A_318 = arith.constant 16 : i32
      %dma_start3A_319 = arith.constant 0 : i32
      %dma_start3A_320 = tpu.memref_slice %arg6[%dma_start3A_318, %dma_start3A_319] : memref<64x64xf32, #tpu.memory_space<vmem>> -> memref<1x64xf32, #tpu.memory_space<vmem>>
      %dma_start3A_321 = arith.constant 0 : i32
      %dma_start3A_322 = tpu.memref_slice %arg2[%squeeze3A_317, %dma_start3A_321] : memref<1000000x64xf32, #tpu.memory_space<hbm>> -> memref<1x64xf32, #tpu.memory_space<hbm>>
      %dma_start3A_323 = arith.constant 16 : i32
      %dma_start3A_324 = arith.constant 0 : i32
      %dma_start3A_325 = tpu.memref_slice %arg6[%dma_start3A_323, %dma_start3A_324] : memref<64x64xf32, #tpu.memory_space<vmem>> -> memref<1x64xf32, #tpu.memory_space<vmem>>
      %dma_start3A_326 = arith.constant 0 : i32
      %dma_start3A_327 = tpu.memref_slice %arg2[%squeeze3A_317, %dma_start3A_326] : memref<1000000x64xf32, #tpu.memory_space<hbm>> -> memref<1x64xf32, #tpu.memory_space<hbm>>
      tpu.enqueue_dma source(%dma_start3A_327 : memref<1x64xf32, #tpu.memory_space<hbm>>) target(%dma_start3A_325 : memref<1x64xf32, #tpu.memory_space<vmem>>) target_semaphore(%arg7 : memref<!tpu.dma_semaphore, #tpu.memory_space<semaphore_mem>>)
      %mul3A_328 = arith.constant 64 : i32
      %mul3A_329 = arith.muli %scan3A_8, %mul3A_328 : i32
      %add3A_330 = arith.constant 17 : i32
      %add3A_331 = arith.addi %mul3A_329, %add3A_330 : i32
      %get3A_332 = arith.index_cast %add3A_331 : i32 to index
      %get3A_333 = tpu.vector_load %arg5[%get3A_332] {strides = array<i32>} : memref<528xi32, #tpu.memory_space<vmem>>, vector<16xi32>,
      %get3A_334 = vector.shape_cast %get3A_333 : vector<16xi32> to vector<16xi32>
      %slice3A_335 = vector.extract_strided_slice %get3A_334 {offsets = [0], sizes = [1], strides = [1]} : vector<16xi32> to vector<1xi32>
      %squeeze3A_336 = vector.extract %slice3A_335[0] : i32 from vector<1xi32>
      %dma_start3A_337 = arith.constant 17 : i32
      %dma_start3A_338 = arith.constant 0 : i32
      %dma_start3A_339 = tpu.memref_slice %arg6[%dma_start3A_337, %dma_start3A_338] : memref<64x64xf32, #tpu.memory_space<vmem>> -> memref<1x64xf32, #tpu.memory_space<vmem>>
      %dma_start3A_340 = arith.constant 0 : i32
      %dma_start3A_341 = tpu.memref_slice %arg2[%squeeze3A_336, %dma_start3A_340] : memref<1000000x64xf32, #tpu.memory_space<hbm>> -> memref<1x64xf32, #tpu.memory_space<hbm>>
      %dma_start3A_342 = arith.constant 17 : i32
      %dma_start3A_343 = arith.constant 0 : i32
      %dma_start3A_344 = tpu.memref_slice %arg6[%dma_start3A_342, %dma_start3A_343] : memref<64x64xf32, #tpu.memory_space<vmem>> -> memref<1x64xf32, #tpu.memory_space<vmem>>
      %dma_start3A_345 = arith.constant 0 : i32
      %dma_start3A_346 = tpu.memref_slice %arg2[%squeeze3A_336, %dma_start3A_345] : memref<1000000x64xf32, #tpu.memory_space<hbm>> -> memref<1x64xf32, #tpu.memory_space<hbm>>
      tpu.enqueue_dma source(%dma_start3A_346 : memref<1x64xf32, #tpu.memory_space<hbm>>) target(%dma_start3A_344 : memref<1x64xf32, #tpu.memory_space<vmem>>) target_semaphore(%arg7 : memref<!tpu.dma_semaphore, #tpu.memory_space<semaphore_mem>>)
      %mul3A_347 = arith.constant 64 : i32
      %mul3A_348 = arith.muli %scan3A_8, %mul3A_347 : i32
      %add3A_349 = arith.constant 18 : i32
      %add3A_350 = arith.addi %mul3A_348, %add3A_349 : i32
      %get3A_351 = arith.index_cast %add3A_350 : i32 to index
      %get3A_352 = tpu.vector_load %arg5[%get3A_351] {strides = array<i32>} : memref<528xi32, #tpu.memory_space<vmem>>, vector<16xi32>,
      %get3A_353 = vector.shape_cast %get3A_352 : vector<16xi32> to vector<16xi32>
      %slice3A_354 = vector.extract_strided_slice %get3A_353 {offsets = [0], sizes = [1], strides = [1]} : vector<16xi32> to vector<1xi32>
      %squeeze3A_355 = vector.extract %slice3A_354[0] : i32 from vector<1xi32>
      %dma_start3A_356 = arith.constant 18 : i32
      %dma_start3A_357 = arith.constant 0 : i32
      %dma_start3A_358 = tpu.memref_slice %arg6[%dma_start3A_356, %dma_start3A_357] : memref<64x64xf32, #tpu.memory_space<vmem>> -> memref<1x64xf32, #tpu.memory_space<vmem>>
      %dma_start3A_359 = arith.constant 0 : i32
      %dma_start3A_360 = tpu.memref_slice %arg2[%squeeze3A_355, %dma_start3A_359] : memref<1000000x64xf32, #tpu.memory_space<hbm>> -> memref<1x64xf32, #tpu.memory_space<hbm>>
      %dma_start3A_361 = arith.constant 18 : i32
      %dma_start3A_362 = arith.constant 0 : i32
      %dma_start3A_363 = tpu.memref_slice %arg6[%dma_start3A_361, %dma_start3A_362] : memref<64x64xf32, #tpu.memory_space<vmem>> -> memref<1x64xf32, #tpu.memory_space<vmem>>
      %dma_start3A_364 = arith.constant 0 : i32
      %dma_start3A_365 = tpu.memref_slice %arg2[%squeeze3A_355, %dma_start3A_364] : memref<1000000x64xf32, #tpu.memory_space<hbm>> -> memref<1x64xf32, #tpu.memory_space<hbm>>
      tpu.enqueue_dma source(%dma_start3A_365 : memref<1x64xf32, #tpu.memory_space<hbm>>) target(%dma_start3A_363 : memref<1x64xf32, #tpu.memory_space<vmem>>) target_semaphore(%arg7 : memref<!tpu.dma_semaphore, #tpu.memory_space<semaphore_mem>>)
      %mul3A_366 = arith.constant 64 : i32
      %mul3A_367 = arith.muli %scan3A_8, %mul3A_366 : i32
      %add3A_368 = arith.constant 19 : i32
      %add3A_369 = arith.addi %mul3A_367, %add3A_368 : i32
      %get3A_370 = arith.index_cast %add3A_369 : i32 to index
      %get3A_371 = tpu.vector_load %arg5[%get3A_370] {strides = array<i32>} : memref<528xi32, #tpu.memory_space<vmem>>, vector<16xi32>,
      %get3A_372 = vector.shape_cast %get3A_371 : vector<16xi32> to vector<16xi32>
      %slice3A_373 = vector.extract_strided_slice %get3A_372 {offsets = [0], sizes = [1], strides = [1]} : vector<16xi32> to vector<1xi32>
      %squeeze3A_374 = vector.extract %slice3A_373[0] : i32 from vector<1xi32>
      %dma_start3A_375 = arith.constant 19 : i32
      %dma_start3A_376 = arith.constant 0 : i32
      %dma_start3A_377 = tpu.memref_slice %arg6[%dma_start3A_375, %dma_start3A_376] : memref<64x64xf32, #tpu.memory_space<vmem>> -> memref<1x64xf32, #tpu.memory_space<vmem>>
      %dma_start3A_378 = arith.constant 0 : i32
      %dma_start3A_379 = tpu.memref_slice %arg2[%squeeze3A_374, %dma_start3A_378] : memref<1000000x64xf32, #tpu.memory_space<hbm>> -> memref<1x64xf32, #tpu.memory_space<hbm>>
      %dma_start3A_380 = arith.constant 19 : i32
      %dma_start3A_381 = arith.constant 0 : i32
      %dma_start3A_382 = tpu.memref_slice %arg6[%dma_start3A_380, %dma_start3A_381] : memref<64x64xf32, #tpu.memory_space<vmem>> -> memref<1x64xf32, #tpu.memory_space<vmem>>
      %dma_start3A_383 = arith.constant 0 : i32
      %dma_start3A_384 = tpu.memref_slice %arg2[%squeeze3A_374, %dma_start3A_383] : memref<1000000x64xf32, #tpu.memory_space<hbm>> -> memref<1x64xf32, #tpu.memory_space<hbm>>
      tpu.enqueue_dma source(%dma_start3A_384 : memref<1x64xf32, #tpu.memory_space<hbm>>) target(%dma_start3A_382 : memref<1x64xf32, #tpu.memory_space<vmem>>) target_semaphore(%arg7 : memref<!tpu.dma_semaphore, #tpu.memory_space<semaphore_mem>>)
      %mul3A_385 = arith.constant 64 : i32
      %mul3A_386 = arith.muli %scan3A_8, %mul3A_385 : i32
      %add3A_387 = arith.constant 20 : i32
      %add3A_388 = arith.addi %mul3A_386, %add3A_387 : i32
      %get3A_389 = arith.index_cast %add3A_388 : i32 to index
      %get3A_390 = tpu.vector_load %arg5[%get3A_389] {strides = array<i32>} : memref<528xi32, #tpu.memory_space<vmem>>, vector<16xi32>,
      %get3A_391 = vector.shape_cast %get3A_390 : vector<16xi32> to vector<16xi32>
      %slice3A_392 = vector.extract_strided_slice %get3A_391 {offsets = [0], sizes = [1], strides = [1]} : vector<16xi32> to vector<1xi32>
      %squeeze3A_393 = vector.extract %slice3A_392[0] : i32 from vector<1xi32>
      %dma_start3A_394 = arith.constant 20 : i32
      %dma_start3A_395 = arith.constant 0 : i32
      %dma_start3A_396 = tpu.memref_slice %arg6[%dma_start3A_394, %dma_start3A_395] : memref<64x64xf32, #tpu.memory_space<vmem>> -> memref<1x64xf32, #tpu.memory_space<vmem>>
      %dma_start3A_397 = arith.constant 0 : i32
      %dma_start3A_398 = tpu.memref_slice %arg2[%squeeze3A_393, %dma_start3A_397] : memref<1000000x64xf32, #tpu.memory_space<hbm>> -> memref<1x64xf32, #tpu.memory_space<hbm>>
      %dma_start3A_399 = arith.constant 20 : i32
      %dma_start3A_400 = arith.constant 0 : i32
      %dma_start3A_401 = tpu.memref_slice %arg6[%dma_start3A_399, %dma_start3A_400] : memref<64x64xf32, #tpu.memory_space<vmem>> -> memref<1x64xf32, #tpu.memory_space<vmem>>
      %dma_start3A_402 = arith.constant 0 : i32
      %dma_start3A_403 = tpu.memref_slice %arg2[%squeeze3A_393, %dma_start3A_402] : memref<1000000x64xf32, #tpu.memory_space<hbm>> -> memref<1x64xf32, #tpu.memory_space<hbm>>
      tpu.enqueue_dma source(%dma_start3A_403 : memref<1x64xf32, #tpu.memory_space<hbm>>) target(%dma_start3A_401 : memref<1x64xf32, #tpu.memory_space<vmem>>) target_semaphore(%arg7 : memref<!tpu.dma_semaphore, #tpu.memory_space<semaphore_mem>>)
      %mul3A_404 = arith.constant 64 : i32
      %mul3A_405 = arith.muli %scan3A_8, %mul3A_404 : i32
      %add3A_406 = arith.constant 21 : i32
      %add3A_407 = arith.addi %mul3A_405, %add3A_406 : i32
      %get3A_408 = arith.index_cast %add3A_407 : i32 to index
      %get3A_409 = tpu.vector_load %arg5[%get3A_408] {strides = array<i32>} : memref<528xi32, #tpu.memory_space<vmem>>, vector<16xi32>,
      %get3A_410 = vector.shape_cast %get3A_409 : vector<16xi32> to vector<16xi32>
      %slice3A_411 = vector.extract_strided_slice %get3A_410 {offsets = [0], sizes = [1], strides = [1]} : vector<16xi32> to vector<1xi32>
      %squeeze3A_412 = vector.extract %slice3A_411[0] : i32 from vector<1xi32>
      %dma_start3A_413 = arith.constant 21 : i32
      %dma_start3A_414 = arith.constant 0 : i32
      %dma_start3A_415 = tpu.memref_slice %arg6[%dma_start3A_413, %dma_start3A_414] : memref<64x64xf32, #tpu.memory_space<vmem>> -> memref<1x64xf32, #tpu.memory_space<vmem>>
      %dma_start3A_416 = arith.constant 0 : i32
      %dma_start3A_417 = tpu.memref_slice %arg2[%squeeze3A_412, %dma_start3A_416] : memref<1000000x64xf32, #tpu.memory_space<hbm>> -> memref<1x64xf32, #tpu.memory_space<hbm>>
      %dma_start3A_418 = arith.constant 21 : i32
      %dma_start3A_419 = arith.constant 0 : i32
      %dma_start3A_420 = tpu.memref_slice %arg6[%dma_start3A_418, %dma_start3A_419] : memref<64x64xf32, #tpu.memory_space<vmem>> -> memref<1x64xf32, #tpu.memory_space<vmem>>
      %dma_start3A_421 = arith.constant 0 : i32
      %dma_start3A_422 = tpu.memref_slice %arg2[%squeeze3A_412, %dma_start3A_421] : memref<1000000x64xf32, #tpu.memory_space<hbm>> -> memref<1x64xf32, #tpu.memory_space<hbm>>
      tpu.enqueue_dma source(%dma_start3A_422 : memref<1x64xf32, #tpu.memory_space<hbm>>) target(%dma_start3A_420 : memref<1x64xf32, #tpu.memory_space<vmem>>) target_semaphore(%arg7 : memref<!tpu.dma_semaphore, #tpu.memory_space<semaphore_mem>>)
      %mul3A_423 = arith.constant 64 : i32
      %mul3A_424 = arith.muli %scan3A_8, %mul3A_423 : i32
      %add3A_425 = arith.constant 22 : i32
      %add3A_426 = arith.addi %mul3A_424, %add3A_425 : i32
      %get3A_427 = arith.index_cast %add3A_426 : i32 to index
      %get3A_428 = tpu.vector_load %arg5[%get3A_427] {strides = array<i32>} : memref<528xi32, #tpu.memory_space<vmem>>, vector<16xi32>,
      %get3A_429 = vector.shape_cast %get3A_428 : vector<16xi32> to vector<16xi32>
      %slice3A_430 = vector.extract_strided_slice %get3A_429 {offsets = [0], sizes = [1], strides = [1]} : vector<16xi32> to vector<1xi32>
      %squeeze3A_431 = vector.extract %slice3A_430[0] : i32 from vector<1xi32>
      %dma_start3A_432 = arith.constant 22 : i32
      %dma_start3A_433 = arith.constant 0 : i32
      %dma_start3A_434 = tpu.memref_slice %arg6[%dma_start3A_432, %dma_start3A_433] : memref<64x64xf32, #tpu.memory_space<vmem>> -> memref<1x64xf32, #tpu.memory_space<vmem>>
      %dma_start3A_435 = arith.constant 0 : i32
      %dma_start3A_436 = tpu.memref_slice %arg2[%squeeze3A_431, %dma_start3A_435] : memref<1000000x64xf32, #tpu.memory_space<hbm>> -> memref<1x64xf32, #tpu.memory_space<hbm>>
      %dma_start3A_437 = arith.constant 22 : i32
      %dma_start3A_438 = arith.constant 0 : i32
      %dma_start3A_439 = tpu.memref_slice %arg6[%dma_start3A_437, %dma_start3A_438] : memref<64x64xf32, #tpu.memory_space<vmem>> -> memref<1x64xf32, #tpu.memory_space<vmem>>
      %dma_start3A_440 = arith.constant 0 : i32
      %dma_start3A_441 = tpu.memref_slice %arg2[%squeeze3A_431, %dma_start3A_440] : memref<1000000x64xf32, #tpu.memory_space<hbm>> -> memref<1x64xf32, #tpu.memory_space<hbm>>
      tpu.enqueue_dma source(%dma_start3A_441 : memref<1x64xf32, #tpu.memory_space<hbm>>) target(%dma_start3A_439 : memref<1x64xf32, #tpu.memory_space<vmem>>) target_semaphore(%arg7 : memref<!tpu.dma_semaphore, #tpu.memory_space<semaphore_mem>>)
      %mul3A_442 = arith.constant 64 : i32
      %mul3A_443 = arith.muli %scan3A_8, %mul3A_442 : i32
      %add3A_444 = arith.constant 23 : i32
      %add3A_445 = arith.addi %mul3A_443, %add3A_444 : i32
      %get3A_446 = arith.index_cast %add3A_445 : i32 to index
      %get3A_447 = tpu.vector_load %arg5[%get3A_446] {strides = array<i32>} : memref<528xi32, #tpu.memory_space<vmem>>, vector<16xi32>,
      %get3A_448 = vector.shape_cast %get3A_447 : vector<16xi32> to vector<16xi32>
      %slice3A_449 = vector.extract_strided_slice %get3A_448 {offsets = [0], sizes = [1], strides = [1]} : vector<16xi32> to vector<1xi32>
      %squeeze3A_450 = vector.extract %slice3A_449[0] : i32 from vector<1xi32>
      %dma_start3A_451 = arith.constant 23 : i32
      %dma_start3A_452 = arith.constant 0 : i32
      %dma_start3A_453 = tpu.memref_slice %arg6[%dma_start3A_451, %dma_start3A_452] : memref<64x64xf32, #tpu.memory_space<vmem>> -> memref<1x64xf32, #tpu.memory_space<vmem>>
      %dma_start3A_454 = arith.constant 0 : i32
      %dma_start3A_455 = tpu.memref_slice %arg2[%squeeze3A_450, %dma_start3A_454] : memref<1000000x64xf32, #tpu.memory_space<hbm>> -> memref<1x64xf32, #tpu.memory_space<hbm>>
      %dma_start3A_456 = arith.constant 23 : i32
      %dma_start3A_457 = arith.constant 0 : i32
      %dma_start3A_458 = tpu.memref_slice %arg6[%dma_start3A_456, %dma_start3A_457] : memref<64x64xf32, #tpu.memory_space<vmem>> -> memref<1x64xf32, #tpu.memory_space<vmem>>
      %dma_start3A_459 = arith.constant 0 : i32
      %dma_start3A_460 = tpu.memref_slice %arg2[%squeeze3A_450, %dma_start3A_459] : memref<1000000x64xf32, #tpu.memory_space<hbm>> -> memref<1x64xf32, #tpu.memory_space<hbm>>
      tpu.enqueue_dma source(%dma_start3A_460 : memref<1x64xf32, #tpu.memory_space<hbm>>) target(%dma_start3A_458 : memref<1x64xf32, #tpu.memory_space<vmem>>) target_semaphore(%arg7 : memref<!tpu.dma_semaphore, #tpu.memory_space<semaphore_mem>>)
      %mul3A_461 = arith.constant 64 : i32
      %mul3A_462 = arith.muli %scan3A_8, %mul3A_461 : i32
      %add3A_463 = arith.constant 24 : i32
      %add3A_464 = arith.addi %mul3A_462, %add3A_463 : i32
      %get3A_465 = arith.index_cast %add3A_464 : i32 to index
      %get3A_466 = tpu.vector_load %arg5[%get3A_465] {strides = array<i32>} : memref<528xi32, #tpu.memory_space<vmem>>, vector<16xi32>,
      %get3A_467 = vector.shape_cast %get3A_466 : vector<16xi32> to vector<16xi32>
      %slice3A_468 = vector.extract_strided_slice %get3A_467 {offsets = [0], sizes = [1], strides = [1]} : vector<16xi32> to vector<1xi32>
      %squeeze3A_469 = vector.extract %slice3A_468[0] : i32 from vector<1xi32>
      %dma_start3A_470 = arith.constant 24 : i32
      %dma_start3A_471 = arith.constant 0 : i32
      %dma_start3A_472 = tpu.memref_slice %arg6[%dma_start3A_470, %dma_start3A_471] : memref<64x64xf32, #tpu.memory_space<vmem>> -> memref<1x64xf32, #tpu.memory_space<vmem>>
      %dma_start3A_473 = arith.constant 0 : i32
      %dma_start3A_474 = tpu.memref_slice %arg2[%squeeze3A_469, %dma_start3A_473] : memref<1000000x64xf32, #tpu.memory_space<hbm>> -> memref<1x64xf32, #tpu.memory_space<hbm>>
      %dma_start3A_475 = arith.constant 24 : i32
      %dma_start3A_476 = arith.constant 0 : i32
      %dma_start3A_477 = tpu.memref_slice %arg6[%dma_start3A_475, %dma_start3A_476] : memref<64x64xf32, #tpu.memory_space<vmem>> -> memref<1x64xf32, #tpu.memory_space<vmem>>
      %dma_start3A_478 = arith.constant 0 : i32
      %dma_start3A_479 = tpu.memref_slice %arg2[%squeeze3A_469, %dma_start3A_478] : memref<1000000x64xf32, #tpu.memory_space<hbm>> -> memref<1x64xf32, #tpu.memory_space<hbm>>
      tpu.enqueue_dma source(%dma_start3A_479 : memref<1x64xf32, #tpu.memory_space<hbm>>) target(%dma_start3A_477 : memref<1x64xf32, #tpu.memory_space<vmem>>) target_semaphore(%arg7 : memref<!tpu.dma_semaphore, #tpu.memory_space<semaphore_mem>>)
      %mul3A_480 = arith.constant 64 : i32
      %mul3A_481 = arith.muli %scan3A_8, %mul3A_480 : i32
      %add3A_482 = arith.constant 25 : i32
      %add3A_483 = arith.addi %mul3A_481, %add3A_482 : i32
      %get3A_484 = arith.index_cast %add3A_483 : i32 to index
      %get3A_485 = tpu.vector_load %arg5[%get3A_484] {strides = array<i32>} : memref<528xi32, #tpu.memory_space<vmem>>, vector<16xi32>,
      %get3A_486 = vector.shape_cast %get3A_485 : vector<16xi32> to vector<16xi32>
      %slice3A_487 = vector.extract_strided_slice %get3A_486 {offsets = [0], sizes = [1], strides = [1]} : vector<16xi32> to vector<1xi32>
      %squeeze3A_488 = vector.extract %slice3A_487[0] : i32 from vector<1xi32>
      %dma_start3A_489 = arith.constant 25 : i32
      %dma_start3A_490 = arith.constant 0 : i32
      %dma_start3A_491 = tpu.memref_slice %arg6[%dma_start3A_489, %dma_start3A_490] : memref<64x64xf32, #tpu.memory_space<vmem>> -> memref<1x64xf32, #tpu.memory_space<vmem>>
      %dma_start3A_492 = arith.constant 0 : i32
      %dma_start3A_493 = tpu.memref_slice %arg2[%squeeze3A_488, %dma_start3A_492] : memref<1000000x64xf32, #tpu.memory_space<hbm>> -> memref<1x64xf32, #tpu.memory_space<hbm>>
      %dma_start3A_494 = arith.constant 25 : i32
      %dma_start3A_495 = arith.constant 0 : i32
      %dma_start3A_496 = tpu.memref_slice %arg6[%dma_start3A_494, %dma_start3A_495] : memref<64x64xf32, #tpu.memory_space<vmem>> -> memref<1x64xf32, #tpu.memory_space<vmem>>
      %dma_start3A_497 = arith.constant 0 : i32
      %dma_start3A_498 = tpu.memref_slice %arg2[%squeeze3A_488, %dma_start3A_497] : memref<1000000x64xf32, #tpu.memory_space<hbm>> -> memref<1x64xf32, #tpu.memory_space<hbm>>
      tpu.enqueue_dma source(%dma_start3A_498 : memref<1x64xf32, #tpu.memory_space<hbm>>) target(%dma_start3A_496 : memref<1x64xf32, #tpu.memory_space<vmem>>) target_semaphore(%arg7 : memref<!tpu.dma_semaphore, #tpu.memory_space<semaphore_mem>>)
      %mul3A_499 = arith.constant 64 : i32
      %mul3A_500 = arith.muli %scan3A_8, %mul3A_499 : i32
      %add3A_501 = arith.constant 26 : i32
      %add3A_502 = arith.addi %mul3A_500, %add3A_501 : i32
      %get3A_503 = arith.index_cast %add3A_502 : i32 to index
      %get3A_504 = tpu.vector_load %arg5[%get3A_503] {strides = array<i32>} : memref<528xi32, #tpu.memory_space<vmem>>, vector<16xi32>,
      %get3A_505 = vector.shape_cast %get3A_504 : vector<16xi32> to vector<16xi32>
      %slice3A_506 = vector.extract_strided_slice %get3A_505 {offsets = [0], sizes = [1], strides = [1]} : vector<16xi32> to vector<1xi32>
      %squeeze3A_507 = vector.extract %slice3A_506[0] : i32 from vector<1xi32>
      %dma_start3A_508 = arith.constant 26 : i32
      %dma_start3A_509 = arith.constant 0 : i32
      %dma_start3A_510 = tpu.memref_slice %arg6[%dma_start3A_508, %dma_start3A_509] : memref<64x64xf32, #tpu.memory_space<vmem>> -> memref<1x64xf32, #tpu.memory_space<vmem>>
      %dma_start3A_511 = arith.constant 0 : i32
      %dma_start3A_512 = tpu.memref_slice %arg2[%squeeze3A_507, %dma_start3A_511] : memref<1000000x64xf32, #tpu.memory_space<hbm>> -> memref<1x64xf32, #tpu.memory_space<hbm>>
      %dma_start3A_513 = arith.constant 26 : i32
      %dma_start3A_514 = arith.constant 0 : i32
      %dma_start3A_515 = tpu.memref_slice %arg6[%dma_start3A_513, %dma_start3A_514] : memref<64x64xf32, #tpu.memory_space<vmem>> -> memref<1x64xf32, #tpu.memory_space<vmem>>
      %dma_start3A_516 = arith.constant 0 : i32
      %dma_start3A_517 = tpu.memref_slice %arg2[%squeeze3A_507, %dma_start3A_516] : memref<1000000x64xf32, #tpu.memory_space<hbm>> -> memref<1x64xf32, #tpu.memory_space<hbm>>
      tpu.enqueue_dma source(%dma_start3A_517 : memref<1x64xf32, #tpu.memory_space<hbm>>) target(%dma_start3A_515 : memref<1x64xf32, #tpu.memory_space<vmem>>) target_semaphore(%arg7 : memref<!tpu.dma_semaphore, #tpu.memory_space<semaphore_mem>>)
      %mul3A_518 = arith.constant 64 : i32
      %mul3A_519 = arith.muli %scan3A_8, %mul3A_518 : i32
      %add3A_520 = arith.constant 27 : i32
      %add3A_521 = arith.addi %mul3A_519, %add3A_520 : i32
      %get3A_522 = arith.index_cast %add3A_521 : i32 to index
      %get3A_523 = tpu.vector_load %arg5[%get3A_522] {strides = array<i32>} : memref<528xi32, #tpu.memory_space<vmem>>, vector<16xi32>,
      %get3A_524 = vector.shape_cast %get3A_523 : vector<16xi32> to vector<16xi32>
      %slice3A_525 = vector.extract_strided_slice %get3A_524 {offsets = [0], sizes = [1], strides = [1]} : vector<16xi32> to vector<1xi32>
      %squeeze3A_526 = vector.extract %slice3A_525[0] : i32 from vector<1xi32>
      %dma_start3A_527 = arith.constant 27 : i32
      %dma_start3A_528 = arith.constant 0 : i32
      %dma_start3A_529 = tpu.memref_slice %arg6[%dma_start3A_527, %dma_start3A_528] : memref<64x64xf32, #tpu.memory_space<vmem>> -> memref<1x64xf32, #tpu.memory_space<vmem>>
      %dma_start3A_530 = arith.constant 0 : i32
      %dma_start3A_531 = tpu.memref_slice %arg2[%squeeze3A_526, %dma_start3A_530] : memref<1000000x64xf32, #tpu.memory_space<hbm>> -> memref<1x64xf32, #tpu.memory_space<hbm>>
      %dma_start3A_532 = arith.constant 27 : i32
      %dma_start3A_533 = arith.constant 0 : i32
      %dma_start3A_534 = tpu.memref_slice %arg6[%dma_start3A_532, %dma_start3A_533] : memref<64x64xf32, #tpu.memory_space<vmem>> -> memref<1x64xf32, #tpu.memory_space<vmem>>
      %dma_start3A_535 = arith.constant 0 : i32
      %dma_start3A_536 = tpu.memref_slice %arg2[%squeeze3A_526, %dma_start3A_535] : memref<1000000x64xf32, #tpu.memory_space<hbm>> -> memref<1x64xf32, #tpu.memory_space<hbm>>
      tpu.enqueue_dma source(%dma_start3A_536 : memref<1x64xf32, #tpu.memory_space<hbm>>) target(%dma_start3A_534 : memref<1x64xf32, #tpu.memory_space<vmem>>) target_semaphore(%arg7 : memref<!tpu.dma_semaphore, #tpu.memory_space<semaphore_mem>>)
      %mul3A_537 = arith.constant 64 : i32
      %mul3A_538 = arith.muli %scan3A_8, %mul3A_537 : i32
      %add3A_539 = arith.constant 28 : i32
      %add3A_540 = arith.addi %mul3A_538, %add3A_539 : i32
      %get3A_541 = arith.index_cast %add3A_540 : i32 to index
      %get3A_542 = tpu.vector_load %arg5[%get3A_541] {strides = array<i32>} : memref<528xi32, #tpu.memory_space<vmem>>, vector<16xi32>,
      %get3A_543 = vector.shape_cast %get3A_542 : vector<16xi32> to vector<16xi32>
      %slice3A_544 = vector.extract_strided_slice %get3A_543 {offsets = [0], sizes = [1], strides = [1]} : vector<16xi32> to vector<1xi32>
      %squeeze3A_545 = vector.extract %slice3A_544[0] : i32 from vector<1xi32>
      %dma_start3A_546 = arith.constant 28 : i32
      %dma_start3A_547 = arith.constant 0 : i32
      %dma_start3A_548 = tpu.memref_slice %arg6[%dma_start3A_546, %dma_start3A_547] : memref<64x64xf32, #tpu.memory_space<vmem>> -> memref<1x64xf32, #tpu.memory_space<vmem>>
      %dma_start3A_549 = arith.constant 0 : i32
      %dma_start3A_550 = tpu.memref_slice %arg2[%squeeze3A_545, %dma_start3A_549] : memref<1000000x64xf32, #tpu.memory_space<hbm>> -> memref<1x64xf32, #tpu.memory_space<hbm>>
      %dma_start3A_551 = arith.constant 28 : i32
      %dma_start3A_552 = arith.constant 0 : i32
      %dma_start3A_553 = tpu.memref_slice %arg6[%dma_start3A_551, %dma_start3A_552] : memref<64x64xf32, #tpu.memory_space<vmem>> -> memref<1x64xf32, #tpu.memory_space<vmem>>
      %dma_start3A_554 = arith.constant 0 : i32
      %dma_start3A_555 = tpu.memref_slice %arg2[%squeeze3A_545, %dma_start3A_554] : memref<1000000x64xf32, #tpu.memory_space<hbm>> -> memref<1x64xf32, #tpu.memory_space<hbm>>
      tpu.enqueue_dma source(%dma_start3A_555 : memref<1x64xf32, #tpu.memory_space<hbm>>) target(%dma_start3A_553 : memref<1x64xf32, #tpu.memory_space<vmem>>) target_semaphore(%arg7 : memref<!tpu.dma_semaphore, #tpu.memory_space<semaphore_mem>>)
      %mul3A_556 = arith.constant 64 : i32
      %mul3A_557 = arith.muli %scan3A_8, %mul3A_556 : i32
      %add3A_558 = arith.constant 29 : i32
      %add3A_559 = arith.addi %mul3A_557, %add3A_558 : i32
      %get3A_560 = arith.index_cast %add3A_559 : i32 to index
      %get3A_561 = tpu.vector_load %arg5[%get3A_560] {strides = array<i32>} : memref<528xi32, #tpu.memory_space<vmem>>, vector<16xi32>,
      %get3A_562 = vector.shape_cast %get3A_561 : vector<16xi32> to vector<16xi32>
      %slice3A_563 = vector.extract_strided_slice %get3A_562 {offsets = [0], sizes = [1], strides = [1]} : vector<16xi32> to vector<1xi32>
      %squeeze3A_564 = vector.extract %slice3A_563[0] : i32 from vector<1xi32>
      %dma_start3A_565 = arith.constant 29 : i32
      %dma_start3A_566 = arith.constant 0 : i32
      %dma_start3A_567 = tpu.memref_slice %arg6[%dma_start3A_565, %dma_start3A_566] : memref<64x64xf32, #tpu.memory_space<vmem>> -> memref<1x64xf32, #tpu.memory_space<vmem>>
      %dma_start3A_568 = arith.constant 0 : i32
      %dma_start3A_569 = tpu.memref_slice %arg2[%squeeze3A_564, %dma_start3A_568] : memref<1000000x64xf32, #tpu.memory_space<hbm>> -> memref<1x64xf32, #tpu.memory_space<hbm>>
      %dma_start3A_570 = arith.constant 29 : i32
      %dma_start3A_571 = arith.constant 0 : i32
      %dma_start3A_572 = tpu.memref_slice %arg6[%dma_start3A_570, %dma_start3A_571] : memref<64x64xf32, #tpu.memory_space<vmem>> -> memref<1x64xf32, #tpu.memory_space<vmem>>
      %dma_start3A_573 = arith.constant 0 : i32
      %dma_start3A_574 = tpu.memref_slice %arg2[%squeeze3A_564, %dma_start3A_573] : memref<1000000x64xf32, #tpu.memory_space<hbm>> -> memref<1x64xf32, #tpu.memory_space<hbm>>
      tpu.enqueue_dma source(%dma_start3A_574 : memref<1x64xf32, #tpu.memory_space<hbm>>) target(%dma_start3A_572 : memref<1x64xf32, #tpu.memory_space<vmem>>) target_semaphore(%arg7 : memref<!tpu.dma_semaphore, #tpu.memory_space<semaphore_mem>>)
      %mul3A_575 = arith.constant 64 : i32
      %mul3A_576 = arith.muli %scan3A_8, %mul3A_575 : i32
      %add3A_577 = arith.constant 30 : i32
      %add3A_578 = arith.addi %mul3A_576, %add3A_577 : i32
      %get3A_579 = arith.index_cast %add3A_578 : i32 to index
      %get3A_580 = tpu.vector_load %arg5[%get3A_579] {strides = array<i32>} : memref<528xi32, #tpu.memory_space<vmem>>, vector<16xi32>,
      %get3A_581 = vector.shape_cast %get3A_580 : vector<16xi32> to vector<16xi32>
      %slice3A_582 = vector.extract_strided_slice %get3A_581 {offsets = [0], sizes = [1], strides = [1]} : vector<16xi32> to vector<1xi32>
      %squeeze3A_583 = vector.extract %slice3A_582[0] : i32 from vector<1xi32>
      %dma_start3A_584 = arith.constant 30 : i32
      %dma_start3A_585 = arith.constant 0 : i32
      %dma_start3A_586 = tpu.memref_slice %arg6[%dma_start3A_584, %dma_start3A_585] : memref<64x64xf32, #tpu.memory_space<vmem>> -> memref<1x64xf32, #tpu.memory_space<vmem>>
      %dma_start3A_587 = arith.constant 0 : i32
      %dma_start3A_588 = tpu.memref_slice %arg2[%squeeze3A_583, %dma_start3A_587] : memref<1000000x64xf32, #tpu.memory_space<hbm>> -> memref<1x64xf32, #tpu.memory_space<hbm>>
      %dma_start3A_589 = arith.constant 30 : i32
      %dma_start3A_590 = arith.constant 0 : i32
      %dma_start3A_591 = tpu.memref_slice %arg6[%dma_start3A_589, %dma_start3A_590] : memref<64x64xf32, #tpu.memory_space<vmem>> -> memref<1x64xf32, #tpu.memory_space<vmem>>
      %dma_start3A_592 = arith.constant 0 : i32
      %dma_start3A_593 = tpu.memref_slice %arg2[%squeeze3A_583, %dma_start3A_592] : memref<1000000x64xf32, #tpu.memory_space<hbm>> -> memref<1x64xf32, #tpu.memory_space<hbm>>
      tpu.enqueue_dma source(%dma_start3A_593 : memref<1x64xf32, #tpu.memory_space<hbm>>) target(%dma_start3A_591 : memref<1x64xf32, #tpu.memory_space<vmem>>) target_semaphore(%arg7 : memref<!tpu.dma_semaphore, #tpu.memory_space<semaphore_mem>>)
      %mul3A_594 = arith.constant 64 : i32
      %mul3A_595 = arith.muli %scan3A_8, %mul3A_594 : i32
      %add3A_596 = arith.constant 31 : i32
      %add3A_597 = arith.addi %mul3A_595, %add3A_596 : i32
      %get3A_598 = arith.index_cast %add3A_597 : i32 to index
      %get3A_599 = tpu.vector_load %arg5[%get3A_598] {strides = array<i32>} : memref<528xi32, #tpu.memory_space<vmem>>, vector<16xi32>,
      %get3A_600 = vector.shape_cast %get3A_599 : vector<16xi32> to vector<16xi32>
      %slice3A_601 = vector.extract_strided_slice %get3A_600 {offsets = [0], sizes = [1], strides = [1]} : vector<16xi32> to vector<1xi32>
      %squeeze3A_602 = vector.extract %slice3A_601[0] : i32 from vector<1xi32>
      %dma_start3A_603 = arith.constant 31 : i32
      %dma_start3A_604 = arith.constant 0 : i32
      %dma_start3A_605 = tpu.memref_slice %arg6[%dma_start3A_603, %dma_start3A_604] : memref<64x64xf32, #tpu.memory_space<vmem>> -> memref<1x64xf32, #tpu.memory_space<vmem>>
      %dma_start3A_606 = arith.constant 0 : i32
      %dma_start3A_607 = tpu.memref_slice %arg2[%squeeze3A_602, %dma_start3A_606] : memref<1000000x64xf32, #tpu.memory_space<hbm>> -> memref<1x64xf32, #tpu.memory_space<hbm>>
      %dma_start3A_608 = arith.constant 31 : i32
      %dma_start3A_609 = arith.constant 0 : i32
      %dma_start3A_610 = tpu.memref_slice %arg6[%dma_start3A_608, %dma_start3A_609] : memref<64x64xf32, #tpu.memory_space<vmem>> -> memref<1x64xf32, #tpu.memory_space<vmem>>
      %dma_start3A_611 = arith.constant 0 : i32
      %dma_start3A_612 = tpu.memref_slice %arg2[%squeeze3A_602, %dma_start3A_611] : memref<1000000x64xf32, #tpu.memory_space<hbm>> -> memref<1x64xf32, #tpu.memory_space<hbm>>
      tpu.enqueue_dma source(%dma_start3A_612 : memref<1x64xf32, #tpu.memory_space<hbm>>) target(%dma_start3A_610 : memref<1x64xf32, #tpu.memory_space<vmem>>) target_semaphore(%arg7 : memref<!tpu.dma_semaphore, #tpu.memory_space<semaphore_mem>>)
      %mul3A_613 = arith.constant 64 : i32
      %mul3A_614 = arith.muli %scan3A_8, %mul3A_613 : i32
      %add3A_615 = arith.constant 32 : i32
      %add3A_616 = arith.addi %mul3A_614, %add3A_615 : i32
      %get3A_617 = arith.index_cast %add3A_616 : i32 to index
      %get3A_618 = tpu.vector_load %arg5[%get3A_617] {strides = array<i32>} : memref<528xi32, #tpu.memory_space<vmem>>, vector<16xi32>,
      %get3A_619 = vector.shape_cast %get3A_618 : vector<16xi32> to vector<16xi32>
      %slice3A_620 = vector.extract_strided_slice %get3A_619 {offsets = [0], sizes = [1], strides = [1]} : vector<16xi32> to vector<1xi32>
      %squeeze3A_621 = vector.extract %slice3A_620[0] : i32 from vector<1xi32>
      %dma_start3A_622 = arith.constant 32 : i32
      %dma_start3A_623 = arith.constant 0 : i32
      %dma_start3A_624 = tpu.memref_slice %arg6[%dma_start3A_622, %dma_start3A_623] : memref<64x64xf32, #tpu.memory_space<vmem>> -> memref<1x64xf32, #tpu.memory_space<vmem>>
      %dma_start3A_625 = arith.constant 0 : i32
      %dma_start3A_626 = tpu.memref_slice %arg2[%squeeze3A_621, %dma_start3A_625] : memref<1000000x64xf32, #tpu.memory_space<hbm>> -> memref<1x64xf32, #tpu.memory_space<hbm>>
      %dma_start3A_627 = arith.constant 32 : i32
      %dma_start3A_628 = arith.constant 0 : i32
      %dma_start3A_629 = tpu.memref_slice %arg6[%dma_start3A_627, %dma_start3A_628] : memref<64x64xf32, #tpu.memory_space<vmem>> -> memref<1x64xf32, #tpu.memory_space<vmem>>
      %dma_start3A_630 = arith.constant 0 : i32
      %dma_start3A_631 = tpu.memref_slice %arg2[%squeeze3A_621, %dma_start3A_630] : memref<1000000x64xf32, #tpu.memory_space<hbm>> -> memref<1x64xf32, #tpu.memory_space<hbm>>
      tpu.enqueue_dma source(%dma_start3A_631 : memref<1x64xf32, #tpu.memory_space<hbm>>) target(%dma_start3A_629 : memref<1x64xf32, #tpu.memory_space<vmem>>) target_semaphore(%arg7 : memref<!tpu.dma_semaphore, #tpu.memory_space<semaphore_mem>>)
      %mul3A_632 = arith.constant 64 : i32
      %mul3A_633 = arith.muli %scan3A_8, %mul3A_632 : i32
      %add3A_634 = arith.constant 33 : i32
      %add3A_635 = arith.addi %mul3A_633, %add3A_634 : i32
      %get3A_636 = arith.index_cast %add3A_635 : i32 to index
      %get3A_637 = tpu.vector_load %arg5[%get3A_636] {strides = array<i32>} : memref<528xi32, #tpu.memory_space<vmem>>, vector<16xi32>,
      %get3A_638 = vector.shape_cast %get3A_637 : vector<16xi32> to vector<16xi32>
      %slice3A_639 = vector.extract_strided_slice %get3A_638 {offsets = [0], sizes = [1], strides = [1]} : vector<16xi32> to vector<1xi32>
      %squeeze3A_640 = vector.extract %slice3A_639[0] : i32 from vector<1xi32>
      %dma_start3A_641 = arith.constant 33 : i32
      %dma_start3A_642 = arith.constant 0 : i32
      %dma_start3A_643 = tpu.memref_slice %arg6[%dma_start3A_641, %dma_start3A_642] : memref<64x64xf32, #tpu.memory_space<vmem>> -> memref<1x64xf32, #tpu.memory_space<vmem>>
      %dma_start3A_644 = arith.constant 0 : i32
      %dma_start3A_645 = tpu.memref_slice %arg2[%squeeze3A_640, %dma_start3A_644] : memref<1000000x64xf32, #tpu.memory_space<hbm>> -> memref<1x64xf32, #tpu.memory_space<hbm>>
      %dma_start3A_646 = arith.constant 33 : i32
      %dma_start3A_647 = arith.constant 0 : i32
      %dma_start3A_648 = tpu.memref_slice %arg6[%dma_start3A_646, %dma_start3A_647] : memref<64x64xf32, #tpu.memory_space<vmem>> -> memref<1x64xf32, #tpu.memory_space<vmem>>
      %dma_start3A_649 = arith.constant 0 : i32
      %dma_start3A_650 = tpu.memref_slice %arg2[%squeeze3A_640, %dma_start3A_649] : memref<1000000x64xf32, #tpu.memory_space<hbm>> -> memref<1x64xf32, #tpu.memory_space<hbm>>
      tpu.enqueue_dma source(%dma_start3A_650 : memref<1x64xf32, #tpu.memory_space<hbm>>) target(%dma_start3A_648 : memref<1x64xf32, #tpu.memory_space<vmem>>) target_semaphore(%arg7 : memref<!tpu.dma_semaphore, #tpu.memory_space<semaphore_mem>>)
      %mul3A_651 = arith.constant 64 : i32
      %mul3A_652 = arith.muli %scan3A_8, %mul3A_651 : i32
      %add3A_653 = arith.constant 34 : i32
      %add3A_654 = arith.addi %mul3A_652, %add3A_653 : i32
      %get3A_655 = arith.index_cast %add3A_654 : i32 to index
      %get3A_656 = tpu.vector_load %arg5[%get3A_655] {strides = array<i32>} : memref<528xi32, #tpu.memory_space<vmem>>, vector<16xi32>,
      %get3A_657 = vector.shape_cast %get3A_656 : vector<16xi32> to vector<16xi32>
      %slice3A_658 = vector.extract_strided_slice %get3A_657 {offsets = [0], sizes = [1], strides = [1]} : vector<16xi32> to vector<1xi32>
      %squeeze3A_659 = vector.extract %slice3A_658[0] : i32 from vector<1xi32>
      %dma_start3A_660 = arith.constant 34 : i32
      %dma_start3A_661 = arith.constant 0 : i32
      %dma_start3A_662 = tpu.memref_slice %arg6[%dma_start3A_660, %dma_start3A_661] : memref<64x64xf32, #tpu.memory_space<vmem>> -> memref<1x64xf32, #tpu.memory_space<vmem>>
      %dma_start3A_663 = arith.constant 0 : i32
      %dma_start3A_664 = tpu.memref_slice %arg2[%squeeze3A_659, %dma_start3A_663] : memref<1000000x64xf32, #tpu.memory_space<hbm>> -> memref<1x64xf32, #tpu.memory_space<hbm>>
      %dma_start3A_665 = arith.constant 34 : i32
      %dma_start3A_666 = arith.constant 0 : i32
      %dma_start3A_667 = tpu.memref_slice %arg6[%dma_start3A_665, %dma_start3A_666] : memref<64x64xf32, #tpu.memory_space<vmem>> -> memref<1x64xf32, #tpu.memory_space<vmem>>
      %dma_start3A_668 = arith.constant 0 : i32
      %dma_start3A_669 = tpu.memref_slice %arg2[%squeeze3A_659, %dma_start3A_668] : memref<1000000x64xf32, #tpu.memory_space<hbm>> -> memref<1x64xf32, #tpu.memory_space<hbm>>
      tpu.enqueue_dma source(%dma_start3A_669 : memref<1x64xf32, #tpu.memory_space<hbm>>) target(%dma_start3A_667 : memref<1x64xf32, #tpu.memory_space<vmem>>) target_semaphore(%arg7 : memref<!tpu.dma_semaphore, #tpu.memory_space<semaphore_mem>>)
      %mul3A_670 = arith.constant 64 : i32
      %mul3A_671 = arith.muli %scan3A_8, %mul3A_670 : i32
      %add3A_672 = arith.constant 35 : i32
      %add3A_673 = arith.addi %mul3A_671, %add3A_672 : i32
      %get3A_674 = arith.index_cast %add3A_673 : i32 to index
      %get3A_675 = tpu.vector_load %arg5[%get3A_674] {strides = array<i32>} : memref<528xi32, #tpu.memory_space<vmem>>, vector<16xi32>,
      %get3A_676 = vector.shape_cast %get3A_675 : vector<16xi32> to vector<16xi32>
      %slice3A_677 = vector.extract_strided_slice %get3A_676 {offsets = [0], sizes = [1], strides = [1]} : vector<16xi32> to vector<1xi32>
      %squeeze3A_678 = vector.extract %slice3A_677[0] : i32 from vector<1xi32>
      %dma_start3A_679 = arith.constant 35 : i32
      %dma_start3A_680 = arith.constant 0 : i32
      %dma_start3A_681 = tpu.memref_slice %arg6[%dma_start3A_679, %dma_start3A_680] : memref<64x64xf32, #tpu.memory_space<vmem>> -> memref<1x64xf32, #tpu.memory_space<vmem>>
      %dma_start3A_682 = arith.constant 0 : i32
      %dma_start3A_683 = tpu.memref_slice %arg2[%squeeze3A_678, %dma_start3A_682] : memref<1000000x64xf32, #tpu.memory_space<hbm>> -> memref<1x64xf32, #tpu.memory_space<hbm>>
      %dma_start3A_684 = arith.constant 35 : i32
      %dma_start3A_685 = arith.constant 0 : i32
      %dma_start3A_686 = tpu.memref_slice %arg6[%dma_start3A_684, %dma_start3A_685] : memref<64x64xf32, #tpu.memory_space<vmem>> -> memref<1x64xf32, #tpu.memory_space<vmem>>
      %dma_start3A_687 = arith.constant 0 : i32
      %dma_start3A_688 = tpu.memref_slice %arg2[%squeeze3A_678, %dma_start3A_687] : memref<1000000x64xf32, #tpu.memory_space<hbm>> -> memref<1x64xf32, #tpu.memory_space<hbm>>
      tpu.enqueue_dma source(%dma_start3A_688 : memref<1x64xf32, #tpu.memory_space<hbm>>) target(%dma_start3A_686 : memref<1x64xf32, #tpu.memory_space<vmem>>) target_semaphore(%arg7 : memref<!tpu.dma_semaphore, #tpu.memory_space<semaphore_mem>>)
      %mul3A_689 = arith.constant 64 : i32
      %mul3A_690 = arith.muli %scan3A_8, %mul3A_689 : i32
      %add3A_691 = arith.constant 36 : i32
      %add3A_692 = arith.addi %mul3A_690, %add3A_691 : i32
      %get3A_693 = arith.index_cast %add3A_692 : i32 to index
      %get3A_694 = tpu.vector_load %arg5[%get3A_693] {strides = array<i32>} : memref<528xi32, #tpu.memory_space<vmem>>, vector<16xi32>,
      %get3A_695 = vector.shape_cast %get3A_694 : vector<16xi32> to vector<16xi32>
      %slice3A_696 = vector.extract_strided_slice %get3A_695 {offsets = [0], sizes = [1], strides = [1]} : vector<16xi32> to vector<1xi32>
      %squeeze3A_697 = vector.extract %slice3A_696[0] : i32 from vector<1xi32>
      %dma_start3A_698 = arith.constant 36 : i32
      %dma_start3A_699 = arith.constant 0 : i32
      %dma_start3A_700 = tpu.memref_slice %arg6[%dma_start3A_698, %dma_start3A_699] : memref<64x64xf32, #tpu.memory_space<vmem>> -> memref<1x64xf32, #tpu.memory_space<vmem>>
      %dma_start3A_701 = arith.constant 0 : i32
      %dma_start3A_702 = tpu.memref_slice %arg2[%squeeze3A_697, %dma_start3A_701] : memref<1000000x64xf32, #tpu.memory_space<hbm>> -> memref<1x64xf32, #tpu.memory_space<hbm>>
      %dma_start3A_703 = arith.constant 36 : i32
      %dma_start3A_704 = arith.constant 0 : i32
      %dma_start3A_705 = tpu.memref_slice %arg6[%dma_start3A_703, %dma_start3A_704] : memref<64x64xf32, #tpu.memory_space<vmem>> -> memref<1x64xf32, #tpu.memory_space<vmem>>
      %dma_start3A_706 = arith.constant 0 : i32
      %dma_start3A_707 = tpu.memref_slice %arg2[%squeeze3A_697, %dma_start3A_706] : memref<1000000x64xf32, #tpu.memory_space<hbm>> -> memref<1x64xf32, #tpu.memory_space<hbm>>
      tpu.enqueue_dma source(%dma_start3A_707 : memref<1x64xf32, #tpu.memory_space<hbm>>) target(%dma_start3A_705 : memref<1x64xf32, #tpu.memory_space<vmem>>) target_semaphore(%arg7 : memref<!tpu.dma_semaphore, #tpu.memory_space<semaphore_mem>>)
      %mul3A_708 = arith.constant 64 : i32
      %mul3A_709 = arith.muli %scan3A_8, %mul3A_708 : i32
      %add3A_710 = arith.constant 37 : i32
      %add3A_711 = arith.addi %mul3A_709, %add3A_710 : i32
      %get3A_712 = arith.index_cast %add3A_711 : i32 to index
      %get3A_713 = tpu.vector_load %arg5[%get3A_712] {strides = array<i32>} : memref<528xi32, #tpu.memory_space<vmem>>, vector<16xi32>,
      %get3A_714 = vector.shape_cast %get3A_713 : vector<16xi32> to vector<16xi32>
      %slice3A_715 = vector.extract_strided_slice %get3A_714 {offsets = [0], sizes = [1], strides = [1]} : vector<16xi32> to vector<1xi32>
      %squeeze3A_716 = vector.extract %slice3A_715[0] : i32 from vector<1xi32>
      %dma_start3A_717 = arith.constant 37 : i32
      %dma_start3A_718 = arith.constant 0 : i32
      %dma_start3A_719 = tpu.memref_slice %arg6[%dma_start3A_717, %dma_start3A_718] : memref<64x64xf32, #tpu.memory_space<vmem>> -> memref<1x64xf32, #tpu.memory_space<vmem>>
      %dma_start3A_720 = arith.constant 0 : i32
      %dma_start3A_721 = tpu.memref_slice %arg2[%squeeze3A_716, %dma_start3A_720] : memref<1000000x64xf32, #tpu.memory_space<hbm>> -> memref<1x64xf32, #tpu.memory_space<hbm>>
      %dma_start3A_722 = arith.constant 37 : i32
      %dma_start3A_723 = arith.constant 0 : i32
      %dma_start3A_724 = tpu.memref_slice %arg6[%dma_start3A_722, %dma_start3A_723] : memref<64x64xf32, #tpu.memory_space<vmem>> -> memref<1x64xf32, #tpu.memory_space<vmem>>
      %dma_start3A_725 = arith.constant 0 : i32
      %dma_start3A_726 = tpu.memref_slice %arg2[%squeeze3A_716, %dma_start3A_725] : memref<1000000x64xf32, #tpu.memory_space<hbm>> -> memref<1x64xf32, #tpu.memory_space<hbm>>
      tpu.enqueue_dma source(%dma_start3A_726 : memref<1x64xf32, #tpu.memory_space<hbm>>) target(%dma_start3A_724 : memref<1x64xf32, #tpu.memory_space<vmem>>) target_semaphore(%arg7 : memref<!tpu.dma_semaphore, #tpu.memory_space<semaphore_mem>>)
      %mul3A_727 = arith.constant 64 : i32
      %mul3A_728 = arith.muli %scan3A_8, %mul3A_727 : i32
      %add3A_729 = arith.constant 38 : i32
      %add3A_730 = arith.addi %mul3A_728, %add3A_729 : i32
      %get3A_731 = arith.index_cast %add3A_730 : i32 to index
      %get3A_732 = tpu.vector_load %arg5[%get3A_731] {strides = array<i32>} : memref<528xi32, #tpu.memory_space<vmem>>, vector<16xi32>,
      %get3A_733 = vector.shape_cast %get3A_732 : vector<16xi32> to vector<16xi32>
      %slice3A_734 = vector.extract_strided_slice %get3A_733 {offsets = [0], sizes = [1], strides = [1]} : vector<16xi32> to vector<1xi32>
      %squeeze3A_735 = vector.extract %slice3A_734[0] : i32 from vector<1xi32>
      %dma_start3A_736 = arith.constant 38 : i32
      %dma_start3A_737 = arith.constant 0 : i32
      %dma_start3A_738 = tpu.memref_slice %arg6[%dma_start3A_736, %dma_start3A_737] : memref<64x64xf32, #tpu.memory_space<vmem>> -> memref<1x64xf32, #tpu.memory_space<vmem>>
      %dma_start3A_739 = arith.constant 0 : i32
      %dma_start3A_740 = tpu.memref_slice %arg2[%squeeze3A_735, %dma_start3A_739] : memref<1000000x64xf32, #tpu.memory_space<hbm>> -> memref<1x64xf32, #tpu.memory_space<hbm>>
      %dma_start3A_741 = arith.constant 38 : i32
      %dma_start3A_742 = arith.constant 0 : i32
      %dma_start3A_743 = tpu.memref_slice %arg6[%dma_start3A_741, %dma_start3A_742] : memref<64x64xf32, #tpu.memory_space<vmem>> -> memref<1x64xf32, #tpu.memory_space<vmem>>
      %dma_start3A_744 = arith.constant 0 : i32
      %dma_start3A_745 = tpu.memref_slice %arg2[%squeeze3A_735, %dma_start3A_744] : memref<1000000x64xf32, #tpu.memory_space<hbm>> -> memref<1x64xf32, #tpu.memory_space<hbm>>
      tpu.enqueue_dma source(%dma_start3A_745 : memref<1x64xf32, #tpu.memory_space<hbm>>) target(%dma_start3A_743 : memref<1x64xf32, #tpu.memory_space<vmem>>) target_semaphore(%arg7 : memref<!tpu.dma_semaphore, #tpu.memory_space<semaphore_mem>>)
      %mul3A_746 = arith.constant 64 : i32
      %mul3A_747 = arith.muli %scan3A_8, %mul3A_746 : i32
      %add3A_748 = arith.constant 39 : i32
      %add3A_749 = arith.addi %mul3A_747, %add3A_748 : i32
      %get3A_750 = arith.index_cast %add3A_749 : i32 to index
      %get3A_751 = tpu.vector_load %arg5[%get3A_750] {strides = array<i32>} : memref<528xi32, #tpu.memory_space<vmem>>, vector<16xi32>,
      %get3A_752 = vector.shape_cast %get3A_751 : vector<16xi32> to vector<16xi32>
      %slice3A_753 = vector.extract_strided_slice %get3A_752 {offsets = [0], sizes = [1], strides = [1]} : vector<16xi32> to vector<1xi32>
      %squeeze3A_754 = vector.extract %slice3A_753[0] : i32 from vector<1xi32>
      %dma_start3A_755 = arith.constant 39 : i32
      %dma_start3A_756 = arith.constant 0 : i32
      %dma_start3A_757 = tpu.memref_slice %arg6[%dma_start3A_755, %dma_start3A_756] : memref<64x64xf32, #tpu.memory_space<vmem>> -> memref<1x64xf32, #tpu.memory_space<vmem>>
      %dma_start3A_758 = arith.constant 0 : i32
      %dma_start3A_759 = tpu.memref_slice %arg2[%squeeze3A_754, %dma_start3A_758] : memref<1000000x64xf32, #tpu.memory_space<hbm>> -> memref<1x64xf32, #tpu.memory_space<hbm>>
      %dma_start3A_760 = arith.constant 39 : i32
      %dma_start3A_761 = arith.constant 0 : i32
      %dma_start3A_762 = tpu.memref_slice %arg6[%dma_start3A_760, %dma_start3A_761] : memref<64x64xf32, #tpu.memory_space<vmem>> -> memref<1x64xf32, #tpu.memory_space<vmem>>
      %dma_start3A_763 = arith.constant 0 : i32
      %dma_start3A_764 = tpu.memref_slice %arg2[%squeeze3A_754, %dma_start3A_763] : memref<1000000x64xf32, #tpu.memory_space<hbm>> -> memref<1x64xf32, #tpu.memory_space<hbm>>
      tpu.enqueue_dma source(%dma_start3A_764 : memref<1x64xf32, #tpu.memory_space<hbm>>) target(%dma_start3A_762 : memref<1x64xf32, #tpu.memory_space<vmem>>) target_semaphore(%arg7 : memref<!tpu.dma_semaphore, #tpu.memory_space<semaphore_mem>>)
      %mul3A_765 = arith.constant 64 : i32
      %mul3A_766 = arith.muli %scan3A_8, %mul3A_765 : i32
      %add3A_767 = arith.constant 40 : i32
      %add3A_768 = arith.addi %mul3A_766, %add3A_767 : i32
      %get3A_769 = arith.index_cast %add3A_768 : i32 to index
      %get3A_770 = tpu.vector_load %arg5[%get3A_769] {strides = array<i32>} : memref<528xi32, #tpu.memory_space<vmem>>, vector<16xi32>,
      %get3A_771 = vector.shape_cast %get3A_770 : vector<16xi32> to vector<16xi32>
      %slice3A_772 = vector.extract_strided_slice %get3A_771 {offsets = [0], sizes = [1], strides = [1]} : vector<16xi32> to vector<1xi32>
      %squeeze3A_773 = vector.extract %slice3A_772[0] : i32 from vector<1xi32>
      %dma_start3A_774 = arith.constant 40 : i32
      %dma_start3A_775 = arith.constant 0 : i32
      %dma_start3A_776 = tpu.memref_slice %arg6[%dma_start3A_774, %dma_start3A_775] : memref<64x64xf32, #tpu.memory_space<vmem>> -> memref<1x64xf32, #tpu.memory_space<vmem>>
      %dma_start3A_777 = arith.constant 0 : i32
      %dma_start3A_778 = tpu.memref_slice %arg2[%squeeze3A_773, %dma_start3A_777] : memref<1000000x64xf32, #tpu.memory_space<hbm>> -> memref<1x64xf32, #tpu.memory_space<hbm>>
      %dma_start3A_779 = arith.constant 40 : i32
      %dma_start3A_780 = arith.constant 0 : i32
      %dma_start3A_781 = tpu.memref_slice %arg6[%dma_start3A_779, %dma_start3A_780] : memref<64x64xf32, #tpu.memory_space<vmem>> -> memref<1x64xf32, #tpu.memory_space<vmem>>
      %dma_start3A_782 = arith.constant 0 : i32
      %dma_start3A_783 = tpu.memref_slice %arg2[%squeeze3A_773, %dma_start3A_782] : memref<1000000x64xf32, #tpu.memory_space<hbm>> -> memref<1x64xf32, #tpu.memory_space<hbm>>
      tpu.enqueue_dma source(%dma_start3A_783 : memref<1x64xf32, #tpu.memory_space<hbm>>) target(%dma_start3A_781 : memref<1x64xf32, #tpu.memory_space<vmem>>) target_semaphore(%arg7 : memref<!tpu.dma_semaphore, #tpu.memory_space<semaphore_mem>>)
      %mul3A_784 = arith.constant 64 : i32
      %mul3A_785 = arith.muli %scan3A_8, %mul3A_784 : i32
      %add3A_786 = arith.constant 41 : i32
      %add3A_787 = arith.addi %mul3A_785, %add3A_786 : i32
      %get3A_788 = arith.index_cast %add3A_787 : i32 to index
      %get3A_789 = tpu.vector_load %arg5[%get3A_788] {strides = array<i32>} : memref<528xi32, #tpu.memory_space<vmem>>, vector<16xi32>,
      %get3A_790 = vector.shape_cast %get3A_789 : vector<16xi32> to vector<16xi32>
      %slice3A_791 = vector.extract_strided_slice %get3A_790 {offsets = [0], sizes = [1], strides = [1]} : vector<16xi32> to vector<1xi32>
      %squeeze3A_792 = vector.extract %slice3A_791[0] : i32 from vector<1xi32>
      %dma_start3A_793 = arith.constant 41 : i32
      %dma_start3A_794 = arith.constant 0 : i32
      %dma_start3A_795 = tpu.memref_slice %arg6[%dma_start3A_793, %dma_start3A_794] : memref<64x64xf32, #tpu.memory_space<vmem>> -> memref<1x64xf32, #tpu.memory_space<vmem>>
      %dma_start3A_796 = arith.constant 0 : i32
      %dma_start3A_797 = tpu.memref_slice %arg2[%squeeze3A_792, %dma_start3A_796] : memref<1000000x64xf32, #tpu.memory_space<hbm>> -> memref<1x64xf32, #tpu.memory_space<hbm>>
      %dma_start3A_798 = arith.constant 41 : i32
      %dma_start3A_799 = arith.constant 0 : i32
      %dma_start3A_800 = tpu.memref_slice %arg6[%dma_start3A_798, %dma_start3A_799] : memref<64x64xf32, #tpu.memory_space<vmem>> -> memref<1x64xf32, #tpu.memory_space<vmem>>
      %dma_start3A_801 = arith.constant 0 : i32
      %dma_start3A_802 = tpu.memref_slice %arg2[%squeeze3A_792, %dma_start3A_801] : memref<1000000x64xf32, #tpu.memory_space<hbm>> -> memref<1x64xf32, #tpu.memory_space<hbm>>
      tpu.enqueue_dma source(%dma_start3A_802 : memref<1x64xf32, #tpu.memory_space<hbm>>) target(%dma_start3A_800 : memref<1x64xf32, #tpu.memory_space<vmem>>) target_semaphore(%arg7 : memref<!tpu.dma_semaphore, #tpu.memory_space<semaphore_mem>>)
      %mul3A_803 = arith.constant 64 : i32
      %mul3A_804 = arith.muli %scan3A_8, %mul3A_803 : i32
      %add3A_805 = arith.constant 42 : i32
      %add3A_806 = arith.addi %mul3A_804, %add3A_805 : i32
      %get3A_807 = arith.index_cast %add3A_806 : i32 to index
      %get3A_808 = tpu.vector_load %arg5[%get3A_807] {strides = array<i32>} : memref<528xi32, #tpu.memory_space<vmem>>, vector<16xi32>,
      %get3A_809 = vector.shape_cast %get3A_808 : vector<16xi32> to vector<16xi32>
      %slice3A_810 = vector.extract_strided_slice %get3A_809 {offsets = [0], sizes = [1], strides = [1]} : vector<16xi32> to vector<1xi32>
      %squeeze3A_811 = vector.extract %slice3A_810[0] : i32 from vector<1xi32>
      %dma_start3A_812 = arith.constant 42 : i32
      %dma_start3A_813 = arith.constant 0 : i32
      %dma_start3A_814 = tpu.memref_slice %arg6[%dma_start3A_812, %dma_start3A_813] : memref<64x64xf32, #tpu.memory_space<vmem>> -> memref<1x64xf32, #tpu.memory_space<vmem>>
      %dma_start3A_815 = arith.constant 0 : i32
      %dma_start3A_816 = tpu.memref_slice %arg2[%squeeze3A_811, %dma_start3A_815] : memref<1000000x64xf32, #tpu.memory_space<hbm>> -> memref<1x64xf32, #tpu.memory_space<hbm>>
      %dma_start3A_817 = arith.constant 42 : i32
      %dma_start3A_818 = arith.constant 0 : i32
      %dma_start3A_819 = tpu.memref_slice %arg6[%dma_start3A_817, %dma_start3A_818] : memref<64x64xf32, #tpu.memory_space<vmem>> -> memref<1x64xf32, #tpu.memory_space<vmem>>
      %dma_start3A_820 = arith.constant 0 : i32
      %dma_start3A_821 = tpu.memref_slice %arg2[%squeeze3A_811, %dma_start3A_820] : memref<1000000x64xf32, #tpu.memory_space<hbm>> -> memref<1x64xf32, #tpu.memory_space<hbm>>
      tpu.enqueue_dma source(%dma_start3A_821 : memref<1x64xf32, #tpu.memory_space<hbm>>) target(%dma_start3A_819 : memref<1x64xf32, #tpu.memory_space<vmem>>) target_semaphore(%arg7 : memref<!tpu.dma_semaphore, #tpu.memory_space<semaphore_mem>>)
      %mul3A_822 = arith.constant 64 : i32
      %mul3A_823 = arith.muli %scan3A_8, %mul3A_822 : i32
      %add3A_824 = arith.constant 43 : i32
      %add3A_825 = arith.addi %mul3A_823, %add3A_824 : i32
      %get3A_826 = arith.index_cast %add3A_825 : i32 to index
      %get3A_827 = tpu.vector_load %arg5[%get3A_826] {strides = array<i32>} : memref<528xi32, #tpu.memory_space<vmem>>, vector<16xi32>,
      %get3A_828 = vector.shape_cast %get3A_827 : vector<16xi32> to vector<16xi32>
      %slice3A_829 = vector.extract_strided_slice %get3A_828 {offsets = [0], sizes = [1], strides = [1]} : vector<16xi32> to vector<1xi32>
      %squeeze3A_830 = vector.extract %slice3A_829[0] : i32 from vector<1xi32>
      %dma_start3A_831 = arith.constant 43 : i32
      %dma_start3A_832 = arith.constant 0 : i32
      %dma_start3A_833 = tpu.memref_slice %arg6[%dma_start3A_831, %dma_start3A_832] : memref<64x64xf32, #tpu.memory_space<vmem>> -> memref<1x64xf32, #tpu.memory_space<vmem>>
      %dma_start3A_834 = arith.constant 0 : i32
      %dma_start3A_835 = tpu.memref_slice %arg2[%squeeze3A_830, %dma_start3A_834] : memref<1000000x64xf32, #tpu.memory_space<hbm>> -> memref<1x64xf32, #tpu.memory_space<hbm>>
      %dma_start3A_836 = arith.constant 43 : i32
      %dma_start3A_837 = arith.constant 0 : i32
      %dma_start3A_838 = tpu.memref_slice %arg6[%dma_start3A_836, %dma_start3A_837] : memref<64x64xf32, #tpu.memory_space<vmem>> -> memref<1x64xf32, #tpu.memory_space<vmem>>
      %dma_start3A_839 = arith.constant 0 : i32
      %dma_start3A_840 = tpu.memref_slice %arg2[%squeeze3A_830, %dma_start3A_839] : memref<1000000x64xf32, #tpu.memory_space<hbm>> -> memref<1x64xf32, #tpu.memory_space<hbm>>
      tpu.enqueue_dma source(%dma_start3A_840 : memref<1x64xf32, #tpu.memory_space<hbm>>) target(%dma_start3A_838 : memref<1x64xf32, #tpu.memory_space<vmem>>) target_semaphore(%arg7 : memref<!tpu.dma_semaphore, #tpu.memory_space<semaphore_mem>>)
      %mul3A_841 = arith.constant 64 : i32
      %mul3A_842 = arith.muli %scan3A_8, %mul3A_841 : i32
      %add3A_843 = arith.constant 44 : i32
      %add3A_844 = arith.addi %mul3A_842, %add3A_843 : i32
      %get3A_845 = arith.index_cast %add3A_844 : i32 to index
      %get3A_846 = tpu.vector_load %arg5[%get3A_845] {strides = array<i32>} : memref<528xi32, #tpu.memory_space<vmem>>, vector<16xi32>,
      %get3A_847 = vector.shape_cast %get3A_846 : vector<16xi32> to vector<16xi32>
      %slice3A_848 = vector.extract_strided_slice %get3A_847 {offsets = [0], sizes = [1], strides = [1]} : vector<16xi32> to vector<1xi32>
      %squeeze3A_849 = vector.extract %slice3A_848[0] : i32 from vector<1xi32>
      %dma_start3A_850 = arith.constant 44 : i32
      %dma_start3A_851 = arith.constant 0 : i32
      %dma_start3A_852 = tpu.memref_slice %arg6[%dma_start3A_850, %dma_start3A_851] : memref<64x64xf32, #tpu.memory_space<vmem>> -> memref<1x64xf32, #tpu.memory_space<vmem>>
      %dma_start3A_853 = arith.constant 0 : i32
      %dma_start3A_854 = tpu.memref_slice %arg2[%squeeze3A_849, %dma_start3A_853] : memref<1000000x64xf32, #tpu.memory_space<hbm>> -> memref<1x64xf32, #tpu.memory_space<hbm>>
      %dma_start3A_855 = arith.constant 44 : i32
      %dma_start3A_856 = arith.constant 0 : i32
      %dma_start3A_857 = tpu.memref_slice %arg6[%dma_start3A_855, %dma_start3A_856] : memref<64x64xf32, #tpu.memory_space<vmem>> -> memref<1x64xf32, #tpu.memory_space<vmem>>
      %dma_start3A_858 = arith.constant 0 : i32
      %dma_start3A_859 = tpu.memref_slice %arg2[%squeeze3A_849, %dma_start3A_858] : memref<1000000x64xf32, #tpu.memory_space<hbm>> -> memref<1x64xf32, #tpu.memory_space<hbm>>
      tpu.enqueue_dma source(%dma_start3A_859 : memref<1x64xf32, #tpu.memory_space<hbm>>) target(%dma_start3A_857 : memref<1x64xf32, #tpu.memory_space<vmem>>) target_semaphore(%arg7 : memref<!tpu.dma_semaphore, #tpu.memory_space<semaphore_mem>>)
      %mul3A_860 = arith.constant 64 : i32
      %mul3A_861 = arith.muli %scan3A_8, %mul3A_860 : i32
      %add3A_862 = arith.constant 45 : i32
      %add3A_863 = arith.addi %mul3A_861, %add3A_862 : i32
      %get3A_864 = arith.index_cast %add3A_863 : i32 to index
      %get3A_865 = tpu.vector_load %arg5[%get3A_864] {strides = array<i32>} : memref<528xi32, #tpu.memory_space<vmem>>, vector<16xi32>,
      %get3A_866 = vector.shape_cast %get3A_865 : vector<16xi32> to vector<16xi32>
      %slice3A_867 = vector.extract_strided_slice %get3A_866 {offsets = [0], sizes = [1], strides = [1]} : vector<16xi32> to vector<1xi32>
      %squeeze3A_868 = vector.extract %slice3A_867[0] : i32 from vector<1xi32>
      %dma_start3A_869 = arith.constant 45 : i32
      %dma_start3A_870 = arith.constant 0 : i32
      %dma_start3A_871 = tpu.memref_slice %arg6[%dma_start3A_869, %dma_start3A_870] : memref<64x64xf32, #tpu.memory_space<vmem>> -> memref<1x64xf32, #tpu.memory_space<vmem>>
      %dma_start3A_872 = arith.constant 0 : i32
      %dma_start3A_873 = tpu.memref_slice %arg2[%squeeze3A_868, %dma_start3A_872] : memref<1000000x64xf32, #tpu.memory_space<hbm>> -> memref<1x64xf32, #tpu.memory_space<hbm>>
      %dma_start3A_874 = arith.constant 45 : i32
      %dma_start3A_875 = arith.constant 0 : i32
      %dma_start3A_876 = tpu.memref_slice %arg6[%dma_start3A_874, %dma_start3A_875] : memref<64x64xf32, #tpu.memory_space<vmem>> -> memref<1x64xf32, #tpu.memory_space<vmem>>
      %dma_start3A_877 = arith.constant 0 : i32
      %dma_start3A_878 = tpu.memref_slice %arg2[%squeeze3A_868, %dma_start3A_877] : memref<1000000x64xf32, #tpu.memory_space<hbm>> -> memref<1x64xf32, #tpu.memory_space<hbm>>
      tpu.enqueue_dma source(%dma_start3A_878 : memref<1x64xf32, #tpu.memory_space<hbm>>) target(%dma_start3A_876 : memref<1x64xf32, #tpu.memory_space<vmem>>) target_semaphore(%arg7 : memref<!tpu.dma_semaphore, #tpu.memory_space<semaphore_mem>>)
      %mul3A_879 = arith.constant 64 : i32
      %mul3A_880 = arith.muli %scan3A_8, %mul3A_879 : i32
      %add3A_881 = arith.constant 46 : i32
      %add3A_882 = arith.addi %mul3A_880, %add3A_881 : i32
      %get3A_883 = arith.index_cast %add3A_882 : i32 to index
      %get3A_884 = tpu.vector_load %arg5[%get3A_883] {strides = array<i32>} : memref<528xi32, #tpu.memory_space<vmem>>, vector<16xi32>,
      %get3A_885 = vector.shape_cast %get3A_884 : vector<16xi32> to vector<16xi32>
      %slice3A_886 = vector.extract_strided_slice %get3A_885 {offsets = [0], sizes = [1], strides = [1]} : vector<16xi32> to vector<1xi32>
      %squeeze3A_887 = vector.extract %slice3A_886[0] : i32 from vector<1xi32>
      %dma_start3A_888 = arith.constant 46 : i32
      %dma_start3A_889 = arith.constant 0 : i32
      %dma_start3A_890 = tpu.memref_slice %arg6[%dma_start3A_888, %dma_start3A_889] : memref<64x64xf32, #tpu.memory_space<vmem>> -> memref<1x64xf32, #tpu.memory_space<vmem>>
      %dma_start3A_891 = arith.constant 0 : i32
      %dma_start3A_892 = tpu.memref_slice %arg2[%squeeze3A_887, %dma_start3A_891] : memref<1000000x64xf32, #tpu.memory_space<hbm>> -> memref<1x64xf32, #tpu.memory_space<hbm>>
      %dma_start3A_893 = arith.constant 46 : i32
      %dma_start3A_894 = arith.constant 0 : i32
      %dma_start3A_895 = tpu.memref_slice %arg6[%dma_start3A_893, %dma_start3A_894] : memref<64x64xf32, #tpu.memory_space<vmem>> -> memref<1x64xf32, #tpu.memory_space<vmem>>
      %dma_start3A_896 = arith.constant 0 : i32
      %dma_start3A_897 = tpu.memref_slice %arg2[%squeeze3A_887, %dma_start3A_896] : memref<1000000x64xf32, #tpu.memory_space<hbm>> -> memref<1x64xf32, #tpu.memory_space<hbm>>
      tpu.enqueue_dma source(%dma_start3A_897 : memref<1x64xf32, #tpu.memory_space<hbm>>) target(%dma_start3A_895 : memref<1x64xf32, #tpu.memory_space<vmem>>) target_semaphore(%arg7 : memref<!tpu.dma_semaphore, #tpu.memory_space<semaphore_mem>>)
      %mul3A_898 = arith.constant 64 : i32
      %mul3A_899 = arith.muli %scan3A_8, %mul3A_898 : i32
      %add3A_900 = arith.constant 47 : i32
      %add3A_901 = arith.addi %mul3A_899, %add3A_900 : i32
      %get3A_902 = arith.index_cast %add3A_901 : i32 to index
      %get3A_903 = tpu.vector_load %arg5[%get3A_902] {strides = array<i32>} : memref<528xi32, #tpu.memory_space<vmem>>, vector<16xi32>,
      %get3A_904 = vector.shape_cast %get3A_903 : vector<16xi32> to vector<16xi32>
      %slice3A_905 = vector.extract_strided_slice %get3A_904 {offsets = [0], sizes = [1], strides = [1]} : vector<16xi32> to vector<1xi32>
      %squeeze3A_906 = vector.extract %slice3A_905[0] : i32 from vector<1xi32>
      %dma_start3A_907 = arith.constant 47 : i32
      %dma_start3A_908 = arith.constant 0 : i32
      %dma_start3A_909 = tpu.memref_slice %arg6[%dma_start3A_907, %dma_start3A_908] : memref<64x64xf32, #tpu.memory_space<vmem>> -> memref<1x64xf32, #tpu.memory_space<vmem>>
      %dma_start3A_910 = arith.constant 0 : i32
      %dma_start3A_911 = tpu.memref_slice %arg2[%squeeze3A_906, %dma_start3A_910] : memref<1000000x64xf32, #tpu.memory_space<hbm>> -> memref<1x64xf32, #tpu.memory_space<hbm>>
      %dma_start3A_912 = arith.constant 47 : i32
      %dma_start3A_913 = arith.constant 0 : i32
      %dma_start3A_914 = tpu.memref_slice %arg6[%dma_start3A_912, %dma_start3A_913] : memref<64x64xf32, #tpu.memory_space<vmem>> -> memref<1x64xf32, #tpu.memory_space<vmem>>
      %dma_start3A_915 = arith.constant 0 : i32
      %dma_start3A_916 = tpu.memref_slice %arg2[%squeeze3A_906, %dma_start3A_915] : memref<1000000x64xf32, #tpu.memory_space<hbm>> -> memref<1x64xf32, #tpu.memory_space<hbm>>
      tpu.enqueue_dma source(%dma_start3A_916 : memref<1x64xf32, #tpu.memory_space<hbm>>) target(%dma_start3A_914 : memref<1x64xf32, #tpu.memory_space<vmem>>) target_semaphore(%arg7 : memref<!tpu.dma_semaphore, #tpu.memory_space<semaphore_mem>>)
      %mul3A_917 = arith.constant 64 : i32
      %mul3A_918 = arith.muli %scan3A_8, %mul3A_917 : i32
      %add3A_919 = arith.constant 48 : i32
      %add3A_920 = arith.addi %mul3A_918, %add3A_919 : i32
      %get3A_921 = arith.index_cast %add3A_920 : i32 to index
      %get3A_922 = tpu.vector_load %arg5[%get3A_921] {strides = array<i32>} : memref<528xi32, #tpu.memory_space<vmem>>, vector<16xi32>,
      %get3A_923 = vector.shape_cast %get3A_922 : vector<16xi32> to vector<16xi32>
      %slice3A_924 = vector.extract_strided_slice %get3A_923 {offsets = [0], sizes = [1], strides = [1]} : vector<16xi32> to vector<1xi32>
      %squeeze3A_925 = vector.extract %slice3A_924[0] : i32 from vector<1xi32>
      %dma_start3A_926 = arith.constant 48 : i32
      %dma_start3A_927 = arith.constant 0 : i32
      %dma_start3A_928 = tpu.memref_slice %arg6[%dma_start3A_926, %dma_start3A_927] : memref<64x64xf32, #tpu.memory_space<vmem>> -> memref<1x64xf32, #tpu.memory_space<vmem>>
      %dma_start3A_929 = arith.constant 0 : i32
      %dma_start3A_930 = tpu.memref_slice %arg2[%squeeze3A_925, %dma_start3A_929] : memref<1000000x64xf32, #tpu.memory_space<hbm>> -> memref<1x64xf32, #tpu.memory_space<hbm>>
      %dma_start3A_931 = arith.constant 48 : i32
      %dma_start3A_932 = arith.constant 0 : i32
      %dma_start3A_933 = tpu.memref_slice %arg6[%dma_start3A_931, %dma_start3A_932] : memref<64x64xf32, #tpu.memory_space<vmem>> -> memref<1x64xf32, #tpu.memory_space<vmem>>
      %dma_start3A_934 = arith.constant 0 : i32
      %dma_start3A_935 = tpu.memref_slice %arg2[%squeeze3A_925, %dma_start3A_934] : memref<1000000x64xf32, #tpu.memory_space<hbm>> -> memref<1x64xf32, #tpu.memory_space<hbm>>
      tpu.enqueue_dma source(%dma_start3A_935 : memref<1x64xf32, #tpu.memory_space<hbm>>) target(%dma_start3A_933 : memref<1x64xf32, #tpu.memory_space<vmem>>) target_semaphore(%arg7 : memref<!tpu.dma_semaphore, #tpu.memory_space<semaphore_mem>>)
      %mul3A_936 = arith.constant 64 : i32
      %mul3A_937 = arith.muli %scan3A_8, %mul3A_936 : i32
      %add3A_938 = arith.constant 49 : i32
      %add3A_939 = arith.addi %mul3A_937, %add3A_938 : i32
      %get3A_940 = arith.index_cast %add3A_939 : i32 to index
      %get3A_941 = tpu.vector_load %arg5[%get3A_940] {strides = array<i32>} : memref<528xi32, #tpu.memory_space<vmem>>, vector<16xi32>,
      %get3A_942 = vector.shape_cast %get3A_941 : vector<16xi32> to vector<16xi32>
      %slice3A_943 = vector.extract_strided_slice %get3A_942 {offsets = [0], sizes = [1], strides = [1]} : vector<16xi32> to vector<1xi32>
      %squeeze3A_944 = vector.extract %slice3A_943[0] : i32 from vector<1xi32>
      %dma_start3A_945 = arith.constant 49 : i32
      %dma_start3A_946 = arith.constant 0 : i32
      %dma_start3A_947 = tpu.memref_slice %arg6[%dma_start3A_945, %dma_start3A_946] : memref<64x64xf32, #tpu.memory_space<vmem>> -> memref<1x64xf32, #tpu.memory_space<vmem>>
      %dma_start3A_948 = arith.constant 0 : i32
      %dma_start3A_949 = tpu.memref_slice %arg2[%squeeze3A_944, %dma_start3A_948] : memref<1000000x64xf32, #tpu.memory_space<hbm>> -> memref<1x64xf32, #tpu.memory_space<hbm>>
      %dma_start3A_950 = arith.constant 49 : i32
      %dma_start3A_951 = arith.constant 0 : i32
      %dma_start3A_952 = tpu.memref_slice %arg6[%dma_start3A_950, %dma_start3A_951] : memref<64x64xf32, #tpu.memory_space<vmem>> -> memref<1x64xf32, #tpu.memory_space<vmem>>
      %dma_start3A_953 = arith.constant 0 : i32
      %dma_start3A_954 = tpu.memref_slice %arg2[%squeeze3A_944, %dma_start3A_953] : memref<1000000x64xf32, #tpu.memory_space<hbm>> -> memref<1x64xf32, #tpu.memory_space<hbm>>
      tpu.enqueue_dma source(%dma_start3A_954 : memref<1x64xf32, #tpu.memory_space<hbm>>) target(%dma_start3A_952 : memref<1x64xf32, #tpu.memory_space<vmem>>) target_semaphore(%arg7 : memref<!tpu.dma_semaphore, #tpu.memory_space<semaphore_mem>>)
      %mul3A_955 = arith.constant 64 : i32
      %mul3A_956 = arith.muli %scan3A_8, %mul3A_955 : i32
      %add3A_957 = arith.constant 50 : i32
      %add3A_958 = arith.addi %mul3A_956, %add3A_957 : i32
      %get3A_959 = arith.index_cast %add3A_958 : i32 to index
      %get3A_960 = tpu.vector_load %arg5[%get3A_959] {strides = array<i32>} : memref<528xi32, #tpu.memory_space<vmem>>, vector<16xi32>,
      %get3A_961 = vector.shape_cast %get3A_960 : vector<16xi32> to vector<16xi32>
      %slice3A_962 = vector.extract_strided_slice %get3A_961 {offsets = [0], sizes = [1], strides = [1]} : vector<16xi32> to vector<1xi32>
      %squeeze3A_963 = vector.extract %slice3A_962[0] : i32 from vector<1xi32>
      %dma_start3A_964 = arith.constant 50 : i32
      %dma_start3A_965 = arith.constant 0 : i32
      %dma_start3A_966 = tpu.memref_slice %arg6[%dma_start3A_964, %dma_start3A_965] : memref<64x64xf32, #tpu.memory_space<vmem>> -> memref<1x64xf32, #tpu.memory_space<vmem>>
      %dma_start3A_967 = arith.constant 0 : i32
      %dma_start3A_968 = tpu.memref_slice %arg2[%squeeze3A_963, %dma_start3A_967] : memref<1000000x64xf32, #tpu.memory_space<hbm>> -> memref<1x64xf32, #tpu.memory_space<hbm>>
      %dma_start3A_969 = arith.constant 50 : i32
      %dma_start3A_970 = arith.constant 0 : i32
      %dma_start3A_971 = tpu.memref_slice %arg6[%dma_start3A_969, %dma_start3A_970] : memref<64x64xf32, #tpu.memory_space<vmem>> -> memref<1x64xf32, #tpu.memory_space<vmem>>
      %dma_start3A_972 = arith.constant 0 : i32
      %dma_start3A_973 = tpu.memref_slice %arg2[%squeeze3A_963, %dma_start3A_972] : memref<1000000x64xf32, #tpu.memory_space<hbm>> -> memref<1x64xf32, #tpu.memory_space<hbm>>
      tpu.enqueue_dma source(%dma_start3A_973 : memref<1x64xf32, #tpu.memory_space<hbm>>) target(%dma_start3A_971 : memref<1x64xf32, #tpu.memory_space<vmem>>) target_semaphore(%arg7 : memref<!tpu.dma_semaphore, #tpu.memory_space<semaphore_mem>>)
      %mul3A_974 = arith.constant 64 : i32
      %mul3A_975 = arith.muli %scan3A_8, %mul3A_974 : i32
      %add3A_976 = arith.constant 51 : i32
      %add3A_977 = arith.addi %mul3A_975, %add3A_976 : i32
      %get3A_978 = arith.index_cast %add3A_977 : i32 to index
      %get3A_979 = tpu.vector_load %arg5[%get3A_978] {strides = array<i32>} : memref<528xi32, #tpu.memory_space<vmem>>, vector<16xi32>,
      %get3A_980 = vector.shape_cast %get3A_979 : vector<16xi32> to vector<16xi32>
      %slice3A_981 = vector.extract_strided_slice %get3A_980 {offsets = [0], sizes = [1], strides = [1]} : vector<16xi32> to vector<1xi32>
      %squeeze3A_982 = vector.extract %slice3A_981[0] : i32 from vector<1xi32>
      %dma_start3A_983 = arith.constant 51 : i32
      %dma_start3A_984 = arith.constant 0 : i32
      %dma_start3A_985 = tpu.memref_slice %arg6[%dma_start3A_983, %dma_start3A_984] : memref<64x64xf32, #tpu.memory_space<vmem>> -> memref<1x64xf32, #tpu.memory_space<vmem>>
      %dma_start3A_986 = arith.constant 0 : i32
      %dma_start3A_987 = tpu.memref_slice %arg2[%squeeze3A_982, %dma_start3A_986] : memref<1000000x64xf32, #tpu.memory_space<hbm>> -> memref<1x64xf32, #tpu.memory_space<hbm>>
      %dma_start3A_988 = arith.constant 51 : i32
      %dma_start3A_989 = arith.constant 0 : i32
      %dma_start3A_990 = tpu.memref_slice %arg6[%dma_start3A_988, %dma_start3A_989] : memref<64x64xf32, #tpu.memory_space<vmem>> -> memref<1x64xf32, #tpu.memory_space<vmem>>
      %dma_start3A_991 = arith.constant 0 : i32
      %dma_start3A_992 = tpu.memref_slice %arg2[%squeeze3A_982, %dma_start3A_991] : memref<1000000x64xf32, #tpu.memory_space<hbm>> -> memref<1x64xf32, #tpu.memory_space<hbm>>
      tpu.enqueue_dma source(%dma_start3A_992 : memref<1x64xf32, #tpu.memory_space<hbm>>) target(%dma_start3A_990 : memref<1x64xf32, #tpu.memory_space<vmem>>) target_semaphore(%arg7 : memref<!tpu.dma_semaphore, #tpu.memory_space<semaphore_mem>>)
      %mul3A_993 = arith.constant 64 : i32
      %mul3A_994 = arith.muli %scan3A_8, %mul3A_993 : i32
      %add3A_995 = arith.constant 52 : i32
      %add3A_996 = arith.addi %mul3A_994, %add3A_995 : i32
      %get3A_997 = arith.index_cast %add3A_996 : i32 to index
      %get3A_998 = tpu.vector_load %arg5[%get3A_997] {strides = array<i32>} : memref<528xi32, #tpu.memory_space<vmem>>, vector<16xi32>,
      %get3A_999 = vector.shape_cast %get3A_998 : vector<16xi32> to vector<16xi32>
      %slice3A_1000 = vector.extract_strided_slice %get3A_999 {offsets = [0], sizes = [1], strides = [1]} : vector<16xi32> to vector<1xi32>
      %squeeze3A_1001 = vector.extract %slice3A_1000[0] : i32 from vector<1xi32>
      %dma_start3A_1002 = arith.constant 52 : i32
      %dma_start3A_1003 = arith.constant 0 : i32
      %dma_start3A_1004 = tpu.memref_slice %arg6[%dma_start3A_1002, %dma_start3A_1003] : memref<64x64xf32, #tpu.memory_space<vmem>> -> memref<1x64xf32, #tpu.memory_space<vmem>>
      %dma_start3A_1005 = arith.constant 0 : i32
      %dma_start3A_1006 = tpu.memref_slice %arg2[%squeeze3A_1001, %dma_start3A_1005] : memref<1000000x64xf32, #tpu.memory_space<hbm>> -> memref<1x64xf32, #tpu.memory_space<hbm>>
      %dma_start3A_1007 = arith.constant 52 : i32
      %dma_start3A_1008 = arith.constant 0 : i32
      %dma_start3A_1009 = tpu.memref_slice %arg6[%dma_start3A_1007, %dma_start3A_1008] : memref<64x64xf32, #tpu.memory_space<vmem>> -> memref<1x64xf32, #tpu.memory_space<vmem>>
      %dma_start3A_1010 = arith.constant 0 : i32
      %dma_start3A_1011 = tpu.memref_slice %arg2[%squeeze3A_1001, %dma_start3A_1010] : memref<1000000x64xf32, #tpu.memory_space<hbm>> -> memref<1x64xf32, #tpu.memory_space<hbm>>
      tpu.enqueue_dma source(%dma_start3A_1011 : memref<1x64xf32, #tpu.memory_space<hbm>>) target(%dma_start3A_1009 : memref<1x64xf32, #tpu.memory_space<vmem>>) target_semaphore(%arg7 : memref<!tpu.dma_semaphore, #tpu.memory_space<semaphore_mem>>)
      %mul3A_1012 = arith.constant 64 : i32
      %mul3A_1013 = arith.muli %scan3A_8, %mul3A_1012 : i32
      %add3A_1014 = arith.constant 53 : i32
      %add3A_1015 = arith.addi %mul3A_1013, %add3A_1014 : i32
      %get3A_1016 = arith.index_cast %add3A_1015 : i32 to index
      %get3A_1017 = tpu.vector_load %arg5[%get3A_1016] {strides = array<i32>} : memref<528xi32, #tpu.memory_space<vmem>>, vector<16xi32>,
      %get3A_1018 = vector.shape_cast %get3A_1017 : vector<16xi32> to vector<16xi32>
      %slice3A_1019 = vector.extract_strided_slice %get3A_1018 {offsets = [0], sizes = [1], strides = [1]} : vector<16xi32> to vector<1xi32>
      %squeeze3A_1020 = vector.extract %slice3A_1019[0] : i32 from vector<1xi32>
      %dma_start3A_1021 = arith.constant 53 : i32
      %dma_start3A_1022 = arith.constant 0 : i32
      %dma_start3A_1023 = tpu.memref_slice %arg6[%dma_start3A_1021, %dma_start3A_1022] : memref<64x64xf32, #tpu.memory_space<vmem>> -> memref<1x64xf32, #tpu.memory_space<vmem>>
      %dma_start3A_1024 = arith.constant 0 : i32
      %dma_start3A_1025 = tpu.memref_slice %arg2[%squeeze3A_1020, %dma_start3A_1024] : memref<1000000x64xf32, #tpu.memory_space<hbm>> -> memref<1x64xf32, #tpu.memory_space<hbm>>
      %dma_start3A_1026 = arith.constant 53 : i32
      %dma_start3A_1027 = arith.constant 0 : i32
      %dma_start3A_1028 = tpu.memref_slice %arg6[%dma_start3A_1026, %dma_start3A_1027] : memref<64x64xf32, #tpu.memory_space<vmem>> -> memref<1x64xf32, #tpu.memory_space<vmem>>
      %dma_start3A_1029 = arith.constant 0 : i32
      %dma_start3A_1030 = tpu.memref_slice %arg2[%squeeze3A_1020, %dma_start3A_1029] : memref<1000000x64xf32, #tpu.memory_space<hbm>> -> memref<1x64xf32, #tpu.memory_space<hbm>>
      tpu.enqueue_dma source(%dma_start3A_1030 : memref<1x64xf32, #tpu.memory_space<hbm>>) target(%dma_start3A_1028 : memref<1x64xf32, #tpu.memory_space<vmem>>) target_semaphore(%arg7 : memref<!tpu.dma_semaphore, #tpu.memory_space<semaphore_mem>>)
      %mul3A_1031 = arith.constant 64 : i32
      %mul3A_1032 = arith.muli %scan3A_8, %mul3A_1031 : i32
      %add3A_1033 = arith.constant 54 : i32
      %add3A_1034 = arith.addi %mul3A_1032, %add3A_1033 : i32
      %get3A_1035 = arith.index_cast %add3A_1034 : i32 to index
      %get3A_1036 = tpu.vector_load %arg5[%get3A_1035] {strides = array<i32>} : memref<528xi32, #tpu.memory_space<vmem>>, vector<16xi32>,
      %get3A_1037 = vector.shape_cast %get3A_1036 : vector<16xi32> to vector<16xi32>
      %slice3A_1038 = vector.extract_strided_slice %get3A_1037 {offsets = [0], sizes = [1], strides = [1]} : vector<16xi32> to vector<1xi32>
      %squeeze3A_1039 = vector.extract %slice3A_1038[0] : i32 from vector<1xi32>
      %dma_start3A_1040 = arith.constant 54 : i32
      %dma_start3A_1041 = arith.constant 0 : i32
      %dma_start3A_1042 = tpu.memref_slice %arg6[%dma_start3A_1040, %dma_start3A_1041] : memref<64x64xf32, #tpu.memory_space<vmem>> -> memref<1x64xf32, #tpu.memory_space<vmem>>
      %dma_start3A_1043 = arith.constant 0 : i32
      %dma_start3A_1044 = tpu.memref_slice %arg2[%squeeze3A_1039, %dma_start3A_1043] : memref<1000000x64xf32, #tpu.memory_space<hbm>> -> memref<1x64xf32, #tpu.memory_space<hbm>>
      %dma_start3A_1045 = arith.constant 54 : i32
      %dma_start3A_1046 = arith.constant 0 : i32
      %dma_start3A_1047 = tpu.memref_slice %arg6[%dma_start3A_1045, %dma_start3A_1046] : memref<64x64xf32, #tpu.memory_space<vmem>> -> memref<1x64xf32, #tpu.memory_space<vmem>>
      %dma_start3A_1048 = arith.constant 0 : i32
      %dma_start3A_1049 = tpu.memref_slice %arg2[%squeeze3A_1039, %dma_start3A_1048] : memref<1000000x64xf32, #tpu.memory_space<hbm>> -> memref<1x64xf32, #tpu.memory_space<hbm>>
      tpu.enqueue_dma source(%dma_start3A_1049 : memref<1x64xf32, #tpu.memory_space<hbm>>) target(%dma_start3A_1047 : memref<1x64xf32, #tpu.memory_space<vmem>>) target_semaphore(%arg7 : memref<!tpu.dma_semaphore, #tpu.memory_space<semaphore_mem>>)
      %mul3A_1050 = arith.constant 64 : i32
      %mul3A_1051 = arith.muli %scan3A_8, %mul3A_1050 : i32
      %add3A_1052 = arith.constant 55 : i32
      %add3A_1053 = arith.addi %mul3A_1051, %add3A_1052 : i32
      %get3A_1054 = arith.index_cast %add3A_1053 : i32 to index
      %get3A_1055 = tpu.vector_load %arg5[%get3A_1054] {strides = array<i32>} : memref<528xi32, #tpu.memory_space<vmem>>, vector<16xi32>,
      %get3A_1056 = vector.shape_cast %get3A_1055 : vector<16xi32> to vector<16xi32>
      %slice3A_1057 = vector.extract_strided_slice %get3A_1056 {offsets = [0], sizes = [1], strides = [1]} : vector<16xi32> to vector<1xi32>
      %squeeze3A_1058 = vector.extract %slice3A_1057[0] : i32 from vector<1xi32>
      %dma_start3A_1059 = arith.constant 55 : i32
      %dma_start3A_1060 = arith.constant 0 : i32
      %dma_start3A_1061 = tpu.memref_slice %arg6[%dma_start3A_1059, %dma_start3A_1060] : memref<64x64xf32, #tpu.memory_space<vmem>> -> memref<1x64xf32, #tpu.memory_space<vmem>>
      %dma_start3A_1062 = arith.constant 0 : i32
      %dma_start3A_1063 = tpu.memref_slice %arg2[%squeeze3A_1058, %dma_start3A_1062] : memref<1000000x64xf32, #tpu.memory_space<hbm>> -> memref<1x64xf32, #tpu.memory_space<hbm>>
      %dma_start3A_1064 = arith.constant 55 : i32
      %dma_start3A_1065 = arith.constant 0 : i32
      %dma_start3A_1066 = tpu.memref_slice %arg6[%dma_start3A_1064, %dma_start3A_1065] : memref<64x64xf32, #tpu.memory_space<vmem>> -> memref<1x64xf32, #tpu.memory_space<vmem>>
      %dma_start3A_1067 = arith.constant 0 : i32
      %dma_start3A_1068 = tpu.memref_slice %arg2[%squeeze3A_1058, %dma_start3A_1067] : memref<1000000x64xf32, #tpu.memory_space<hbm>> -> memref<1x64xf32, #tpu.memory_space<hbm>>
      tpu.enqueue_dma source(%dma_start3A_1068 : memref<1x64xf32, #tpu.memory_space<hbm>>) target(%dma_start3A_1066 : memref<1x64xf32, #tpu.memory_space<vmem>>) target_semaphore(%arg7 : memref<!tpu.dma_semaphore, #tpu.memory_space<semaphore_mem>>)
      %mul3A_1069 = arith.constant 64 : i32
      %mul3A_1070 = arith.muli %scan3A_8, %mul3A_1069 : i32
      %add3A_1071 = arith.constant 56 : i32
      %add3A_1072 = arith.addi %mul3A_1070, %add3A_1071 : i32
      %get3A_1073 = arith.index_cast %add3A_1072 : i32 to index
      %get3A_1074 = tpu.vector_load %arg5[%get3A_1073] {strides = array<i32>} : memref<528xi32, #tpu.memory_space<vmem>>, vector<16xi32>,
      %get3A_1075 = vector.shape_cast %get3A_1074 : vector<16xi32> to vector<16xi32>
      %slice3A_1076 = vector.extract_strided_slice %get3A_1075 {offsets = [0], sizes = [1], strides = [1]} : vector<16xi32> to vector<1xi32>
      %squeeze3A_1077 = vector.extract %slice3A_1076[0] : i32 from vector<1xi32>
      %dma_start3A_1078 = arith.constant 56 : i32
      %dma_start3A_1079 = arith.constant 0 : i32
      %dma_start3A_1080 = tpu.memref_slice %arg6[%dma_start3A_1078, %dma_start3A_1079] : memref<64x64xf32, #tpu.memory_space<vmem>> -> memref<1x64xf32, #tpu.memory_space<vmem>>
      %dma_start3A_1081 = arith.constant 0 : i32
      %dma_start3A_1082 = tpu.memref_slice %arg2[%squeeze3A_1077, %dma_start3A_1081] : memref<1000000x64xf32, #tpu.memory_space<hbm>> -> memref<1x64xf32, #tpu.memory_space<hbm>>
      %dma_start3A_1083 = arith.constant 56 : i32
      %dma_start3A_1084 = arith.constant 0 : i32
      %dma_start3A_1085 = tpu.memref_slice %arg6[%dma_start3A_1083, %dma_start3A_1084] : memref<64x64xf32, #tpu.memory_space<vmem>> -> memref<1x64xf32, #tpu.memory_space<vmem>>
      %dma_start3A_1086 = arith.constant 0 : i32
      %dma_start3A_1087 = tpu.memref_slice %arg2[%squeeze3A_1077, %dma_start3A_1086] : memref<1000000x64xf32, #tpu.memory_space<hbm>> -> memref<1x64xf32, #tpu.memory_space<hbm>>
      tpu.enqueue_dma source(%dma_start3A_1087 : memref<1x64xf32, #tpu.memory_space<hbm>>) target(%dma_start3A_1085 : memref<1x64xf32, #tpu.memory_space<vmem>>) target_semaphore(%arg7 : memref<!tpu.dma_semaphore, #tpu.memory_space<semaphore_mem>>)
      %mul3A_1088 = arith.constant 64 : i32
      %mul3A_1089 = arith.muli %scan3A_8, %mul3A_1088 : i32
      %add3A_1090 = arith.constant 57 : i32
      %add3A_1091 = arith.addi %mul3A_1089, %add3A_1090 : i32
      %get3A_1092 = arith.index_cast %add3A_1091 : i32 to index
      %get3A_1093 = tpu.vector_load %arg5[%get3A_1092] {strides = array<i32>} : memref<528xi32, #tpu.memory_space<vmem>>, vector<16xi32>,
      %get3A_1094 = vector.shape_cast %get3A_1093 : vector<16xi32> to vector<16xi32>
      %slice3A_1095 = vector.extract_strided_slice %get3A_1094 {offsets = [0], sizes = [1], strides = [1]} : vector<16xi32> to vector<1xi32>
      %squeeze3A_1096 = vector.extract %slice3A_1095[0] : i32 from vector<1xi32>
      %dma_start3A_1097 = arith.constant 57 : i32
      %dma_start3A_1098 = arith.constant 0 : i32
      %dma_start3A_1099 = tpu.memref_slice %arg6[%dma_start3A_1097, %dma_start3A_1098] : memref<64x64xf32, #tpu.memory_space<vmem>> -> memref<1x64xf32, #tpu.memory_space<vmem>>
      %dma_start3A_1100 = arith.constant 0 : i32
      %dma_start3A_1101 = tpu.memref_slice %arg2[%squeeze3A_1096, %dma_start3A_1100] : memref<1000000x64xf32, #tpu.memory_space<hbm>> -> memref<1x64xf32, #tpu.memory_space<hbm>>
      %dma_start3A_1102 = arith.constant 57 : i32
      %dma_start3A_1103 = arith.constant 0 : i32
      %dma_start3A_1104 = tpu.memref_slice %arg6[%dma_start3A_1102, %dma_start3A_1103] : memref<64x64xf32, #tpu.memory_space<vmem>> -> memref<1x64xf32, #tpu.memory_space<vmem>>
      %dma_start3A_1105 = arith.constant 0 : i32
      %dma_start3A_1106 = tpu.memref_slice %arg2[%squeeze3A_1096, %dma_start3A_1105] : memref<1000000x64xf32, #tpu.memory_space<hbm>> -> memref<1x64xf32, #tpu.memory_space<hbm>>
      tpu.enqueue_dma source(%dma_start3A_1106 : memref<1x64xf32, #tpu.memory_space<hbm>>) target(%dma_start3A_1104 : memref<1x64xf32, #tpu.memory_space<vmem>>) target_semaphore(%arg7 : memref<!tpu.dma_semaphore, #tpu.memory_space<semaphore_mem>>)
      %mul3A_1107 = arith.constant 64 : i32
      %mul3A_1108 = arith.muli %scan3A_8, %mul3A_1107 : i32
      %add3A_1109 = arith.constant 58 : i32
      %add3A_1110 = arith.addi %mul3A_1108, %add3A_1109 : i32
      %get3A_1111 = arith.index_cast %add3A_1110 : i32 to index
      %get3A_1112 = tpu.vector_load %arg5[%get3A_1111] {strides = array<i32>} : memref<528xi32, #tpu.memory_space<vmem>>, vector<16xi32>,
      %get3A_1113 = vector.shape_cast %get3A_1112 : vector<16xi32> to vector<16xi32>
      %slice3A_1114 = vector.extract_strided_slice %get3A_1113 {offsets = [0], sizes = [1], strides = [1]} : vector<16xi32> to vector<1xi32>
      %squeeze3A_1115 = vector.extract %slice3A_1114[0] : i32 from vector<1xi32>
      %dma_start3A_1116 = arith.constant 58 : i32
      %dma_start3A_1117 = arith.constant 0 : i32
      %dma_start3A_1118 = tpu.memref_slice %arg6[%dma_start3A_1116, %dma_start3A_1117] : memref<64x64xf32, #tpu.memory_space<vmem>> -> memref<1x64xf32, #tpu.memory_space<vmem>>
      %dma_start3A_1119 = arith.constant 0 : i32
      %dma_start3A_1120 = tpu.memref_slice %arg2[%squeeze3A_1115, %dma_start3A_1119] : memref<1000000x64xf32, #tpu.memory_space<hbm>> -> memref<1x64xf32, #tpu.memory_space<hbm>>
      %dma_start3A_1121 = arith.constant 58 : i32
      %dma_start3A_1122 = arith.constant 0 : i32
      %dma_start3A_1123 = tpu.memref_slice %arg6[%dma_start3A_1121, %dma_start3A_1122] : memref<64x64xf32, #tpu.memory_space<vmem>> -> memref<1x64xf32, #tpu.memory_space<vmem>>
      %dma_start3A_1124 = arith.constant 0 : i32
      %dma_start3A_1125 = tpu.memref_slice %arg2[%squeeze3A_1115, %dma_start3A_1124] : memref<1000000x64xf32, #tpu.memory_space<hbm>> -> memref<1x64xf32, #tpu.memory_space<hbm>>
      tpu.enqueue_dma source(%dma_start3A_1125 : memref<1x64xf32, #tpu.memory_space<hbm>>) target(%dma_start3A_1123 : memref<1x64xf32, #tpu.memory_space<vmem>>) target_semaphore(%arg7 : memref<!tpu.dma_semaphore, #tpu.memory_space<semaphore_mem>>)
      %mul3A_1126 = arith.constant 64 : i32
      %mul3A_1127 = arith.muli %scan3A_8, %mul3A_1126 : i32
      %add3A_1128 = arith.constant 59 : i32
      %add3A_1129 = arith.addi %mul3A_1127, %add3A_1128 : i32
      %get3A_1130 = arith.index_cast %add3A_1129 : i32 to index
      %get3A_1131 = tpu.vector_load %arg5[%get3A_1130] {strides = array<i32>} : memref<528xi32, #tpu.memory_space<vmem>>, vector<16xi32>,
      %get3A_1132 = vector.shape_cast %get3A_1131 : vector<16xi32> to vector<16xi32>
      %slice3A_1133 = vector.extract_strided_slice %get3A_1132 {offsets = [0], sizes = [1], strides = [1]} : vector<16xi32> to vector<1xi32>
      %squeeze3A_1134 = vector.extract %slice3A_1133[0] : i32 from vector<1xi32>
      %dma_start3A_1135 = arith.constant 59 : i32
      %dma_start3A_1136 = arith.constant 0 : i32
      %dma_start3A_1137 = tpu.memref_slice %arg6[%dma_start3A_1135, %dma_start3A_1136] : memref<64x64xf32, #tpu.memory_space<vmem>> -> memref<1x64xf32, #tpu.memory_space<vmem>>
      %dma_start3A_1138 = arith.constant 0 : i32
      %dma_start3A_1139 = tpu.memref_slice %arg2[%squeeze3A_1134, %dma_start3A_1138] : memref<1000000x64xf32, #tpu.memory_space<hbm>> -> memref<1x64xf32, #tpu.memory_space<hbm>>
      %dma_start3A_1140 = arith.constant 59 : i32
      %dma_start3A_1141 = arith.constant 0 : i32
      %dma_start3A_1142 = tpu.memref_slice %arg6[%dma_start3A_1140, %dma_start3A_1141] : memref<64x64xf32, #tpu.memory_space<vmem>> -> memref<1x64xf32, #tpu.memory_space<vmem>>
      %dma_start3A_1143 = arith.constant 0 : i32
      %dma_start3A_1144 = tpu.memref_slice %arg2[%squeeze3A_1134, %dma_start3A_1143] : memref<1000000x64xf32, #tpu.memory_space<hbm>> -> memref<1x64xf32, #tpu.memory_space<hbm>>
      tpu.enqueue_dma source(%dma_start3A_1144 : memref<1x64xf32, #tpu.memory_space<hbm>>) target(%dma_start3A_1142 : memref<1x64xf32, #tpu.memory_space<vmem>>) target_semaphore(%arg7 : memref<!tpu.dma_semaphore, #tpu.memory_space<semaphore_mem>>)
      %mul3A_1145 = arith.constant 64 : i32
      %mul3A_1146 = arith.muli %scan3A_8, %mul3A_1145 : i32
      %add3A_1147 = arith.constant 60 : i32
      %add3A_1148 = arith.addi %mul3A_1146, %add3A_1147 : i32
      %get3A_1149 = arith.index_cast %add3A_1148 : i32 to index
      %get3A_1150 = tpu.vector_load %arg5[%get3A_1149] {strides = array<i32>} : memref<528xi32, #tpu.memory_space<vmem>>, vector<16xi32>,
      %get3A_1151 = vector.shape_cast %get3A_1150 : vector<16xi32> to vector<16xi32>
      %slice3A_1152 = vector.extract_strided_slice %get3A_1151 {offsets = [0], sizes = [1], strides = [1]} : vector<16xi32> to vector<1xi32>
      %squeeze3A_1153 = vector.extract %slice3A_1152[0] : i32 from vector<1xi32>
      %dma_start3A_1154 = arith.constant 60 : i32
      %dma_start3A_1155 = arith.constant 0 : i32
      %dma_start3A_1156 = tpu.memref_slice %arg6[%dma_start3A_1154, %dma_start3A_1155] : memref<64x64xf32, #tpu.memory_space<vmem>> -> memref<1x64xf32, #tpu.memory_space<vmem>>
      %dma_start3A_1157 = arith.constant 0 : i32
      %dma_start3A_1158 = tpu.memref_slice %arg2[%squeeze3A_1153, %dma_start3A_1157] : memref<1000000x64xf32, #tpu.memory_space<hbm>> -> memref<1x64xf32, #tpu.memory_space<hbm>>
      %dma_start3A_1159 = arith.constant 60 : i32
      %dma_start3A_1160 = arith.constant 0 : i32
      %dma_start3A_1161 = tpu.memref_slice %arg6[%dma_start3A_1159, %dma_start3A_1160] : memref<64x64xf32, #tpu.memory_space<vmem>> -> memref<1x64xf32, #tpu.memory_space<vmem>>
      %dma_start3A_1162 = arith.constant 0 : i32
      %dma_start3A_1163 = tpu.memref_slice %arg2[%squeeze3A_1153, %dma_start3A_1162] : memref<1000000x64xf32, #tpu.memory_space<hbm>> -> memref<1x64xf32, #tpu.memory_space<hbm>>
      tpu.enqueue_dma source(%dma_start3A_1163 : memref<1x64xf32, #tpu.memory_space<hbm>>) target(%dma_start3A_1161 : memref<1x64xf32, #tpu.memory_space<vmem>>) target_semaphore(%arg7 : memref<!tpu.dma_semaphore, #tpu.memory_space<semaphore_mem>>)
      %mul3A_1164 = arith.constant 64 : i32
      %mul3A_1165 = arith.muli %scan3A_8, %mul3A_1164 : i32
      %add3A_1166 = arith.constant 61 : i32
      %add3A_1167 = arith.addi %mul3A_1165, %add3A_1166 : i32
      %get3A_1168 = arith.index_cast %add3A_1167 : i32 to index
      %get3A_1169 = tpu.vector_load %arg5[%get3A_1168] {strides = array<i32>} : memref<528xi32, #tpu.memory_space<vmem>>, vector<16xi32>,
      %get3A_1170 = vector.shape_cast %get3A_1169 : vector<16xi32> to vector<16xi32>
      %slice3A_1171 = vector.extract_strided_slice %get3A_1170 {offsets = [0], sizes = [1], strides = [1]} : vector<16xi32> to vector<1xi32>
      %squeeze3A_1172 = vector.extract %slice3A_1171[0] : i32 from vector<1xi32>
      %dma_start3A_1173 = arith.constant 61 : i32
      %dma_start3A_1174 = arith.constant 0 : i32
      %dma_start3A_1175 = tpu.memref_slice %arg6[%dma_start3A_1173, %dma_start3A_1174] : memref<64x64xf32, #tpu.memory_space<vmem>> -> memref<1x64xf32, #tpu.memory_space<vmem>>
      %dma_start3A_1176 = arith.constant 0 : i32
      %dma_start3A_1177 = tpu.memref_slice %arg2[%squeeze3A_1172, %dma_start3A_1176] : memref<1000000x64xf32, #tpu.memory_space<hbm>> -> memref<1x64xf32, #tpu.memory_space<hbm>>
      %dma_start3A_1178 = arith.constant 61 : i32
      %dma_start3A_1179 = arith.constant 0 : i32
      %dma_start3A_1180 = tpu.memref_slice %arg6[%dma_start3A_1178, %dma_start3A_1179] : memref<64x64xf32, #tpu.memory_space<vmem>> -> memref<1x64xf32, #tpu.memory_space<vmem>>
      %dma_start3A_1181 = arith.constant 0 : i32
      %dma_start3A_1182 = tpu.memref_slice %arg2[%squeeze3A_1172, %dma_start3A_1181] : memref<1000000x64xf32, #tpu.memory_space<hbm>> -> memref<1x64xf32, #tpu.memory_space<hbm>>
      tpu.enqueue_dma source(%dma_start3A_1182 : memref<1x64xf32, #tpu.memory_space<hbm>>) target(%dma_start3A_1180 : memref<1x64xf32, #tpu.memory_space<vmem>>) target_semaphore(%arg7 : memref<!tpu.dma_semaphore, #tpu.memory_space<semaphore_mem>>)
      %mul3A_1183 = arith.constant 64 : i32
      %mul3A_1184 = arith.muli %scan3A_8, %mul3A_1183 : i32
      %add3A_1185 = arith.constant 62 : i32
      %add3A_1186 = arith.addi %mul3A_1184, %add3A_1185 : i32
      %get3A_1187 = arith.index_cast %add3A_1186 : i32 to index
      %get3A_1188 = tpu.vector_load %arg5[%get3A_1187] {strides = array<i32>} : memref<528xi32, #tpu.memory_space<vmem>>, vector<16xi32>,
      %get3A_1189 = vector.shape_cast %get3A_1188 : vector<16xi32> to vector<16xi32>
      %slice3A_1190 = vector.extract_strided_slice %get3A_1189 {offsets = [0], sizes = [1], strides = [1]} : vector<16xi32> to vector<1xi32>
      %squeeze3A_1191 = vector.extract %slice3A_1190[0] : i32 from vector<1xi32>
      %dma_start3A_1192 = arith.constant 62 : i32
      %dma_start3A_1193 = arith.constant 0 : i32
      %dma_start3A_1194 = tpu.memref_slice %arg6[%dma_start3A_1192, %dma_start3A_1193] : memref<64x64xf32, #tpu.memory_space<vmem>> -> memref<1x64xf32, #tpu.memory_space<vmem>>
      %dma_start3A_1195 = arith.constant 0 : i32
      %dma_start3A_1196 = tpu.memref_slice %arg2[%squeeze3A_1191, %dma_start3A_1195] : memref<1000000x64xf32, #tpu.memory_space<hbm>> -> memref<1x64xf32, #tpu.memory_space<hbm>>
      %dma_start3A_1197 = arith.constant 62 : i32
      %dma_start3A_1198 = arith.constant 0 : i32
      %dma_start3A_1199 = tpu.memref_slice %arg6[%dma_start3A_1197, %dma_start3A_1198] : memref<64x64xf32, #tpu.memory_space<vmem>> -> memref<1x64xf32, #tpu.memory_space<vmem>>
      %dma_start3A_1200 = arith.constant 0 : i32
      %dma_start3A_1201 = tpu.memref_slice %arg2[%squeeze3A_1191, %dma_start3A_1200] : memref<1000000x64xf32, #tpu.memory_space<hbm>> -> memref<1x64xf32, #tpu.memory_space<hbm>>
      tpu.enqueue_dma source(%dma_start3A_1201 : memref<1x64xf32, #tpu.memory_space<hbm>>) target(%dma_start3A_1199 : memref<1x64xf32, #tpu.memory_space<vmem>>) target_semaphore(%arg7 : memref<!tpu.dma_semaphore, #tpu.memory_space<semaphore_mem>>)
      %mul3A_1202 = arith.constant 64 : i32
      %mul3A_1203 = arith.muli %scan3A_8, %mul3A_1202 : i32
      %add3A_1204 = arith.constant 63 : i32
      %add3A_1205 = arith.addi %mul3A_1203, %add3A_1204 : i32
      %get3A_1206 = arith.index_cast %add3A_1205 : i32 to index
      %get3A_1207 = tpu.vector_load %arg5[%get3A_1206] {strides = array<i32>} : memref<528xi32, #tpu.memory_space<vmem>>, vector<16xi32>,
      %get3A_1208 = vector.shape_cast %get3A_1207 : vector<16xi32> to vector<16xi32>
      %slice3A_1209 = vector.extract_strided_slice %get3A_1208 {offsets = [0], sizes = [1], strides = [1]} : vector<16xi32> to vector<1xi32>
      %squeeze3A_1210 = vector.extract %slice3A_1209[0] : i32 from vector<1xi32>
      %dma_start3A_1211 = arith.constant 63 : i32
      %dma_start3A_1212 = arith.constant 0 : i32
      %dma_start3A_1213 = tpu.memref_slice %arg6[%dma_start3A_1211, %dma_start3A_1212] : memref<64x64xf32, #tpu.memory_space<vmem>> -> memref<1x64xf32, #tpu.memory_space<vmem>>
      %dma_start3A_1214 = arith.constant 0 : i32
      %dma_start3A_1215 = tpu.memref_slice %arg2[%squeeze3A_1210, %dma_start3A_1214] : memref<1000000x64xf32, #tpu.memory_space<hbm>> -> memref<1x64xf32, #tpu.memory_space<hbm>>
      %dma_start3A_1216 = arith.constant 63 : i32
      %dma_start3A_1217 = arith.constant 0 : i32
      %dma_start3A_1218 = tpu.memref_slice %arg6[%dma_start3A_1216, %dma_start3A_1217] : memref<64x64xf32, #tpu.memory_space<vmem>> -> memref<1x64xf32, #tpu.memory_space<vmem>>
      %dma_start3A_1219 = arith.constant 0 : i32
      %dma_start3A_1220 = tpu.memref_slice %arg2[%squeeze3A_1210, %dma_start3A_1219] : memref<1000000x64xf32, #tpu.memory_space<hbm>> -> memref<1x64xf32, #tpu.memory_space<hbm>>
      tpu.enqueue_dma source(%dma_start3A_1220 : memref<1x64xf32, #tpu.memory_space<hbm>>) target(%dma_start3A_1218 : memref<1x64xf32, #tpu.memory_space<vmem>>) target_semaphore(%arg7 : memref<!tpu.dma_semaphore, #tpu.memory_space<semaphore_mem>>)
      %dma_wait3A = arith.constant 0 : i32
      %dma_wait3A_1221 = arith.constant 0 : i32
      %dma_wait3A_1222 = tpu.memref_slice %arg2[%dma_wait3A, %dma_wait3A_1221] : memref<1000000x64xf32, #tpu.memory_space<hbm>> -> memref<64x64xf32, #tpu.memory_space<hbm>>
      %dma_wait3A_1223 = arith.constant 0 : i32
      %dma_wait3A_1224 = arith.constant 0 : i32
      %dma_wait3A_1225 = tpu.memref_slice %arg2[%dma_wait3A_1223, %dma_wait3A_1224] : memref<1000000x64xf32, #tpu.memory_space<hbm>> -> memref<64x64xf32, #tpu.memory_space<hbm>>
      tpu.wait_dma2 semaphore(%arg7 : memref<!tpu.dma_semaphore, #tpu.memory_space<semaphore_mem>>) src(%dma_wait3A_1225 : memref<64x64xf32, #tpu.memory_space<hbm>>) dst(%arg6 : memref<64x64xf32, #tpu.memory_space<vmem>>)
      %mul3A_1226 = arith.constant 64 : i32
      %mul3A_1227 = arith.muli %scan3A_8, %mul3A_1226 : i32
      %add3A_1228 = arith.addi %mul3A_2, %mul3A_1227 : i32
      "tpu.region"() ({
        %run_scoped3A = tpu.sem_alloc : memref<!tpu.dma_semaphore, #tpu.memory_space<semaphore_mem>>
        %dma_start3A_1229 = arith.constant 0 : i32
        %dma_start3A_1230 = tpu.memref_slice %arg4[%add3A_1228, %dma_start3A_1229] : memref<16384x64xf32, #tpu.memory_space<hbm>> -> memref<64x64xf32, #tpu.memory_space<hbm>>
        %dma_start3A_1231 = arith.constant 0 : i32
        %dma_start3A_1232 = tpu.memref_slice %arg4[%add3A_1228, %dma_start3A_1231] : memref<16384x64xf32, #tpu.memory_space<hbm>> -> memref<64x64xf32, #tpu.memory_space<hbm>>
        tpu.enqueue_dma source(%arg6 : memref<64x64xf32, #tpu.memory_space<vmem>>) target(%dma_start3A_1232 : memref<64x64xf32, #tpu.memory_space<hbm>>) target_semaphore(%run_scoped3A : memref<!tpu.dma_semaphore, #tpu.memory_space<semaphore_mem>>)
        %dma_wait3A_1233 = arith.constant 0 : i32
        %dma_wait3A_1234 = tpu.memref_slice %arg4[%add3A_1228, %dma_wait3A_1233] : memref<16384x64xf32, #tpu.memory_space<hbm>> -> memref<64x64xf32, #tpu.memory_space<hbm>>
        %dma_wait3A_1235 = arith.constant 0 : i32
        %dma_wait3A_1236 = tpu.memref_slice %arg4[%add3A_1228, %dma_wait3A_1235] : memref<16384x64xf32, #tpu.memory_space<hbm>> -> memref<64x64xf32, #tpu.memory_space<hbm>>
        tpu.wait_dma2 semaphore(%run_scoped3A : memref<!tpu.dma_semaphore, #tpu.memory_space<semaphore_mem>>) src(%arg6 : memref<64x64xf32, #tpu.memory_space<vmem>>) dst(%dma_wait3A_1236 : memref<64x64xf32, #tpu.memory_space<hbm>>)
        tpu.yield
      }) : () -> ()
    }
    %scan3A_7 = arith.constant 8 : i32
    return
  }
}

</mosaic_0001>

<sc_bundles>
// kernel: kernel.3.cloned.1.call-start
scs
__scs_entry_jumppad:
0x0: {  	(pc) =	sbr.rel $0x88, $3  }
0x1: {  	(tag) =	ssettag $0x0;
	lr =	simm.s32 $0x1  }
0x2: {  	[smem:$0x3F9F] =	sst lr;
	_ =	strace $0xD0000000  }
0x3: {  	_ = 	snop  }
0x4: {  	_ = 	snop  }
0x5: {  	_ = 	snop  }
0x6: {  	_ = 	snop  }
0x7: {  	_ = 	snop  }
__scs_overlays_trampoline_lowered:
0x8: {  	[smem:$0x3FAE] =	sst s0  }
0x9: {  	[smem:$0x3FAF] =	sst s1  }
0xa: {  	[smem:$0x3FB0] =	sst s2  }
0xb: {  	[smem:$0x3FB1] =	sst s3  }
0xc: {  	[smem:$0x3FB2] =	sst s4  }
0xd: {  	[smem:$0x3FB3] =	sst s5  }
0xe: {  	[smem:$0x3FB4] =	sst s6  }
0xf: {  	[smem:$0x3FB5] =	sst s7  }
0x10: {  	[smem:$0x3FB6] =	sst s8  }
0x11: {  	[smem:$0x3FB7] =	sst s9;
	s0 =	simm.s32 @!p0 $0x0  }
0x12: {  	s1 =	sld [smem:$0x3F9D];
	s0 =	simm.s32 @p0 $0x1  }
0x13: {  	[smem:$0x3FB8] =	sst s0;
	s0 =	simm.s32 @!p1 $0x0  }
0x14: {  	s2 =	sld [smem:$0x3F9C];
	s0 =	simm.s32 @p1 $0x1  }
0x15: {  	[smem:$0x3FB9] =	sst s0;
	s0 =	simm.s32 @!p2 $0x0  }
0x16: {  	s3 =	sld [smem:$0x3FDB];
	s0 =	simm.s32 @p2 $0x1  }
0x17: {  	s4 =	simm.s32 $0x1BF5;
	[smem:$0x3FBB] =	sst s0  }
0x18: {  	s0 =	sld [smem:$0x3F9E];
	_ =	swait.ge [sflag:s4], $0x0  }
0x19: {  	s7 =	sld [smem:$0x3F9F]  }
0x1a: {  	s8 =	sadd.s32 $0xFFFFE003, lr  }
0x1b: {  	s9 =	sadd.s32 $0xFFFFFEF7, lr;
	s5 =	simm.s32 $0xFFFFFFFF;
	p2 =	slt.u32 s8, $0xFFFFF086  }
0x1c: {  	p1 =	slt.u32 s9, $0xF7A;
	s5 =	simm.s32 @!p2 $0x0  }
0x1d: {  	s5 =	simm.s32 @p1 $0x1;
	p0 =	seq.s32 s7, s2  }
0x1e: {  	s7 =	smul.u32 @!p0 $0xF7A, s2;
	p2 =	seq.s32 @!p0 s5, $0x0  }
0x1f: {  	s9 =	smul.u32 $0xF7A, s1;
	s8 =	simm.s32 @!p0 $0x1BF5;
	p2 =	por !p2, p0  }
0x20: {  	[sflag:s8] =	ssyncset.s32 @!p0 $0xFFFFF086;
	s6 =	sadd.s32 @!p0 s3, s7;
	s7 =	simm.s32 @!p0 $0x108  }
0x21: {  	s3 =	sadd.s32 s3, s9;
	s6 =	sadd.s32 @!p0 $0x88, s6;
	s7 =	simm.s32 @p2 $0x1082  }
0x22: {  	[simem:s7], [sflag:s8] =	dma.local @!p0 [hbm:s6], $0xF7A  }
0x23: {  	s9 =	sor.u32 $0xD0000000, s2;
	s6 =	simm.s32 $0x108;
	_ =	swait.ge @!p0 [sflag:s8], $0x0  }
0x24: {  	s3 =	sadd.s32 $0x88, s3;
	s6 =	simm.s32 @!p1 $0x1082;
	[sflag:s4] =	ssyncset.s32 $0xFFFFF086  }
0x25: {  	[simem:s6], [sflag:s4] =	dma.local [hbm:s3], $0xF7A  }
0x26: {  	[smem:$0x3F9F] =	sst s1;
	(tag) =	ssettag s2;
	_ =	strace s9  }
0x27: {  	s1 =	sld [smem:$0x3FAF]  }
0x28: {  	s2 =	sld [smem:$0x3FB0]  }
0x29: {  	s4 =	sld [smem:$0x3FB2]  }
0x2a: {  	p0 =	seq.s32 s5, $0x0;
	s5 =	sld [smem:$0x3FB3]  }
0x2b: {  	s6 =	sld [smem:$0x3FB4]  }
0x2c: {  	s7 =	sld [smem:$0x3FB5]  }
0x2d: {  	s3 =	simm.s32 $0x108;
	s8 =	sld [smem:$0x3FB6]  }
0x2e: {  	s3 =	simm.s32 @!p0 $0x1082;
	s9 =	sld [smem:$0x3FB7]  }
0x2f: {  	lr =	sadd.s32 s0, s3;
	s0 =	sld [smem:$0x3FAE]  }
0x30: {  	s3 =	sld [smem:$0x3FB1]  }
0x31: {  	[smem:$0x3FBA] =	sst s10  }
0x32: {  	s10 =	sld [smem:$0x3FB8];
	_ =	sdelay $0x3  }
0x33: {  	p0 =	seq.s32 s10, $0x1;
	s10 =	sld [smem:$0x3FBA];
	_ =	sdelay $0x3  }
0x34: {  	[smem:$0x3FBA] =	sst s10  }
0x35: {  	s10 =	sld [smem:$0x3FB9];
	_ =	sdelay $0x3  }
0x36: {  	p1 =	seq.s32 s10, $0x1;
	s10 =	sld [smem:$0x3FBA];
	_ =	sdelay $0x3  }
0x37: {  	[smem:$0x3FBA] =	sst s10  }
0x38: {  	s10 =	sld [smem:$0x3FBB]  }
0x39: {  	_ = 	snop;
	(pc) =	sbr.ind lr, $3  }
0x3a: {  	_ = 	snop  }
0x3b: {  	_ = 	snop  }
0x3c: {  	p2 =	seq.s32 s10, $0x1;
	s10 =	sld [smem:$0x3FBA]  }
0x3d: {  	_ =	shalt  }
0x3e: {  	_ =	shalt  }
0x3f: {  	_ =	shalt  }
0x40: {  	_ =	shalt  }
0x41: {  	_ =	shalt  }
0x42: {  	_ =	shalt  }
0x43: {  	_ =	shalt  }
0x44: {  	_ =	shalt  }
0x45: {  	_ =	shalt  }
0x46: {  	_ =	shalt  }
0x47: {  	_ =	shalt  }
0x48: {  	_ =	shalt  }
0x49: {  	_ =	shalt  }
0x4a: {  	_ =	shalt  }
0x4b: {  	_ =	shalt  }
0x4c: {  	_ =	shalt  }
0x4d: {  	_ =	shalt  }
0x4e: {  	_ =	shalt  }
0x4f: {  	_ =	shalt  }
0x50: {  	_ =	shalt  }
0x51: {  	_ =	shalt  }
0x52: {  	_ =	shalt  }
0x53: {  	_ =	shalt  }
0x54: {  	_ =	shalt  }
0x55: {  	_ =	shalt  }
0x56: {  	_ =	shalt  }
0x57: {  	_ =	shalt  }
0x58: {  	_ =	shalt  }
0x59: {  	_ =	shalt  }
0x5a: {  	_ =	shalt  }
0x5b: {  	_ =	shalt  }
0x5c: {  	_ =	shalt  }
0x5d: {  	_ =	shalt  }
0x5e: {  	_ =	shalt  }
0x5f: {  	_ =	shalt  }
0x60: {  	_ =	shalt  }
0x61: {  	_ =	shalt  }
0x62: {  	_ =	shalt  }
0x63: {  	_ =	shalt  }
0x64: {  	_ =	shalt  }
0x65: {  	_ =	shalt  }
0x66: {  	_ =	shalt  }
0x67: {  	_ =	shalt  }
0x68: {  	_ =	shalt  }
0x69: {  	_ =	shalt  }
0x6a: {  	_ =	shalt  }
0x6b: {  	_ =	shalt  }
0x6c: {  	_ =	shalt  }
0x6d: {  	_ =	shalt  }
0x6e: {  	_ =	shalt  }
0x6f: {  	_ =	shalt  }
0x70: {  	_ =	shalt  }
0x71: {  	_ =	shalt  }
0x72: {  	_ =	shalt  }
0x73: {  	_ =	shalt  }
0x74: {  	_ =	shalt  }
0x75: {  	_ =	shalt  }
0x76: {  	_ =	shalt  }
0x77: {  	_ =	shalt  }
0x78: {  	_ =	shalt  }
0x79: {  	_ =	shalt  }
0x7a: {  	_ =	shalt  }
0x7b: {  	_ =	shalt  }
0x7c: {  	_ =	shalt  }
0x7d: {  	_ =	shalt  }
0x7e: {  	_ =	shalt  }
0x7f: {  	_ =	shalt  }
0x80: {  	_ =	shalt  }
0x81: {  	_ =	shalt  }
0x82: {  	_ =	shalt  }
0x83: {  	_ =	shalt  }
0x84: {  	_ =	shalt  }
0x85: {  	_ =	shalt  }
0x86: {  	_ =	shalt  }
0x87: {  	_ =	shalt  }
.Lfunc_end0:
.L_simem_size_0:
called_computation_lowered:
.L_overlay_start_0:
0x88: {  	s2 =	sld [smem:$0x3FD9]  }
0x89: {  	s3 =	sld [smem:$0x3FFE];
	_ =	sdelay $0x1  }
0x8a: {  	s1 =	srdreg.scid  }
0x8b: {  	s0 =	sand.u32 $0x1, s1  }
0x8c: {  	s17 =	sshll.u32 s0, $0xA;
	s2 =	sadd.s32 s3, s2  }
0x8d: {  	s2 =	sadd.s32 s2, s17  }
0x8e: {  	[smem:$0x3FC6] =	sst s2  }
0x8f: {  	_ = 	snop  }
0x90: {  	s2 =	sld [smem:$0x3FC9];
	(tm) =	ssettm $0x1  }
0x91: {  	s18 =	sld [smem:$0x3FFB];
	_ =	sdelay $0x3  }
0x92: {  	_ =	strace s18  }
0x93: {  	s3 =	sld [smem:$0x3FFC];
	_ =	sdelay $0x3  }
0x94: {  	_ =	strace s3  }
0x95: {  	s3 =	sld [smem:$0x3FFD];
	_ =	sdelay $0x3  }
0x96: {  	_ =	strace s3  }
0x97: {  	_ =	strace $0x8FFFFFFF  }
0x98: {  	s19 =	sld [smem:$0x3FDB];
	_ =	sdelay $0x1  }
0x99: {  	s4 =	simm.s32 $_scs_section_size  }
0x9a: {  	s5 =	simm.s32 $_size__tile_overlayer_lowered;
	s6 =	simm.s32 $_tile_overlayer_lowered  }
0x9b: {  	s22 =	simm.s32 $0x1BFF;
	s21 =	sshll.u32 s6, $0x1;
	s3 =	sadd.s32 s4, s19  }
0x9c: {  	s7 =	simm.s32 $0x0;
	s20 =	sshll.u32 s5, $0x1;
	s5 =	sadd.s32 s21, s3  }
0x9d: {  	[timem:s7], [sflag:s22] =	dma.local [hbm:s5], s20  }
0x9e: {  	_ =	swait.ge [sflag:s22], s20  }
0x9f: {  	s4 =	ssub.s32 $0x0, s20;
	[sflag:s22] =	ssyncset.done $0x0  }
0xa0: {  	[sflag:s22] =	ssyncadd.s32 s4;
	_ =	sdelay $0x1  }
0xa1: {  	s23 =	simm.s32 $0x1B8B  }
0xa2: {  	_ =	swait.ge [sflag:s23], $0x1  }
0xa3: {  	[sflag:s23] =	ssyncset.done $0x0  }
0xa4: {  	s25 =	simm.s32 $0x1B8E;
	s24 =	sld [smem:$0x3FFE];
	[sflag:s23] =	ssyncadd.s32 $0xFFFFFFFF  }
0xa5: {  	s26 =	simm.s32 $execute0_lowered;
	[smem:$0x3FD2] =	sst s25  }
0xa6: {  	s5 =	sshll.u32 s26, $0x1;
	_ =	strace $0x80000046;
	[dreg:$0x1] =	wrdreg $0xFFFFFFFF  }
0xa7: {  	s28 =	simm.s32 $_size_execute0_lowered;
	s3 =	sadd.s32 s3, s5;
	[dreg:$0x0] =	wrdreg $0x0  }
0xa8: {  	s5 =	sshll.u32 s28, $0x1;
	[dreg:$0x2] =	wrdreg s3  }
0xa9: {  	[dreg:$0x3] =	wrdreg s5  }
0xaa: {  	[dreg:$0x4] =	wrdreg $0xC0  }
0xab: {  	_ =	task [dreg:s7], $0x5FFFF  }
0xac: {  	[dreg:$0x1] =	wrdreg $0xFFFFFFFF  }
0xad: {  	[dreg:$0x0] =	wrdreg $0x60  }
0xae: {  	[dreg:$0x2] =	wrdreg s24  }
0xaf: {  	[dreg:$0x3] =	wrdreg s2  }
0xb0: {  	[dreg:$0x4] =	wrdreg $0x9  }
0xb1: {  	_ =	task.clear_ibuf [dreg:s7], $0x5FFFF;
	_ =	strace $0x90000046  }
0xb2: {  	s29 =	simm.s32 $0x9;
	_ =	strace $0x80000048  }
0xb3: {  	_ =	swait.ge [sflag:s29], $0x1  }
0xb4: {  	[sflag:s29] =	ssyncadd.s32 $0xFFFFFFFF  }
0xb5: {  	_ =	strace $0x90000048  }
0xb6: {  	_ =	sfence  }
0xb7: {  	s30 =	sld [smem:$0x0];
	_ =	sdelay $0x2  }
0xb8: {  	s31 =	sshll.u32 s1, $0xD;
	s1 =	sshrl.u32 s1, $0x2  }
0xb9: {  	s3 =	sand.u32 $0x4000, s31;
	s1 =	sadd.s32 s1, s30  }
0xba: {  	s0 =	sor.u32 s3, s0;
	s1 =	sshll.u32 s1, $0x11  }
0xbb: {  	s0 =	sor.u32 s1, s0  }
0xbc: {  	s0 =	sadd.s32 $0x8F2B, s0  }
0xbd: {  	[sflag:s0] =	ssyncadd.remote.s32 $0x1  }
0xbe: {  	_ =	sfence.sel $0xFFFF  }
0xbf: {  	[dreg:$0x0] =	wrdreg $0xFFFFFFFF;
	(pc) =	sbr.abs _section_cstart, $3  }
0xc0: {  	[dreg:$0x1] =	wrdreg $0xFFFFFFFF  }
0xc1: {  	_ =	task.clear_ibuf [dreg:s7], $0x2FFFF;
	_ =	strace $0x9FFFFFFF  }
0xc2: {  	(tm) =	ssettm $0x7FFFFFFF  }
0xc3: {  	_ =	shalt  }
tec
execute0_lowered:
.L_overlay_start_1:
0x0: {  	(tag) =	ssettag $0x1  }
0x1: {  	s3 =	rddreg [dreg:$0x0]  }
0x2: {  	s4 =	rddreg [dreg:$0x1];
	s2 =	srdreg.scid  }
0x3: {  	s0 =	rddreg [dreg:$0x2];
	s5 =	sand.u32 $0x1, s2;
	s2 =	simm.s32 $0x0  }
0x4: {  	s14 =	simm.s32 $0x300;
	[smem:$0x7FF] =	sst s2  }
0x5: {  	s15 =	simm.s32 $0x380;
	_ =	strace $0x80000047;
	[dreg:$0x4] =	wrdreg s14  }
0x6: {  	s16 =	simm.s32 $0x400;
	[dreg:$0x5] =	wrdreg s15  }
0x7: {  	s17 =	simm.s32 $0x480;
	[dreg:$0x6] =	wrdreg s16  }
0x8: {  	s18 =	simm.s32 $0x500;
	[dreg:$0x7] =	wrdreg s17  }
0x9: {  	s19 =	simm.s32 $0x580;
	[dreg:$0x8] =	wrdreg s18  }
0xa: {  	s20 =	simm.s32 $0x600;
	[dreg:$0x9] =	wrdreg s19  }
0xb: {  	s21 =	simm.s32 $0x680;
	[dreg:$0xa] =	wrdreg s20  }
0xc: {  	s22 =	simm.s32 $0x700;
	[dreg:$0xb] =	wrdreg s21  }
0xd: {  	s23 =	simm.s32 $0x780;
	[dreg:$0xc] =	wrdreg s22  }
0xe: {  	s24 =	simm.s32 $0x800;
	[dreg:$0xd] =	wrdreg s23  }
0xf: {  	s25 =	simm.s32 $0x880;
	[dreg:$0xe] =	wrdreg s24  }
0x10: {  	s26 =	simm.s32 $0x900;
	[dreg:$0xf] =	wrdreg s25  }
0x11: {  	s28 =	simm.s32 $0x980;
	[dreg:$0x10] =	wrdreg s26  }
0x12: {  	s29 =	simm.s32 $0xA00;
	[dreg:$0x11] =	wrdreg s28  }
0x13: {  	s30 =	simm.s32 $0xA80;
	[dreg:$0x12] =	wrdreg s29  }
0x14: {  	s31 =	simm.s32 $0xB00;
	[dreg:$0x13] =	wrdreg s30  }
0x15: {  	s8 =	simm.s32 $0xC00;
	[dreg:$0x14] =	wrdreg s31  }
0x16: {  	s9 =	simm.s32 $0xC80;
	[dreg:$0x16] =	wrdreg s8  }
0x17: {  	s1 =	stileid.u32;
	s10 =	simm.s32 $0xD00;
	[dreg:$0x17] =	wrdreg s9  }
0x18: {  	s11 =	simm.s32 $0xD80;
	s12 =	simm.s32 $0xE00;
	[dreg:$0x18] =	wrdreg s10  }
0x19: {  	s13 =	simm.s32 $0xE80;
	s6 =	sshll.u32 s1, $0xE;
	[dreg:$0x19] =	wrdreg s11  }
0x1a: {  	s6 =	sadd.s32 s6, s3;
	s7 =	sshll.u32 s5, $0xD;
	[dreg:$0x1a] =	wrdreg s12  }
0x1b: {  	s6 =	sadd.s32 s7, s6;
	s7 =	simm.s32 $0xB80;
	[dreg:$0x1b] =	wrdreg s13  }
0x1c: {  	s14 =	simm.s32 $0xF00;
	[dreg:$0x15] =	wrdreg s7  }
0x1d: {  	s15 =	simm.s32 $0xF80;
	[dreg:$0x1c] =	wrdreg s14  }
0x1e: {  	s16 =	simm.s32 $0x1000;
	[dreg:$0x1d] =	wrdreg s15  }
0x1f: {  	s17 =	simm.s32 $0x1080;
	[dreg:$0x1e] =	wrdreg s16  }
0x20: {  	s18 =	simm.s32 $0x1100;
	[dreg:$0x1f] =	wrdreg s17  }
0x21: {  	s19 =	simm.s32 $0x1180;
	[smem:$0x7DB] =	sst s18  }
0x22: {  	s20 =	simm.s32 $0x1200;
	[smem:$0x7DC] =	sst s19  }
0x23: {  	s21 =	simm.s32 $0x1280;
	[smem:$0x7DD] =	sst s20  }
0x24: {  	s22 =	simm.s32 $0x1300;
	[smem:$0x7DE] =	sst s21  }
0x25: {  	s23 =	simm.s32 $0x1380;
	[smem:$0x7DF] =	sst s22  }
0x26: {  	s24 =	simm.s32 $0x1400;
	[smem:$0x7E0] =	sst s23  }
0x27: {  	s25 =	simm.s32 $0x1480;
	[smem:$0x7E1] =	sst s24  }
0x28: {  	s26 =	simm.s32 $0x1500;
	[smem:$0x7E2] =	sst s25  }
0x29: {  	s28 =	simm.s32 $0x1580;
	[smem:$0x7E3] =	sst s26  }
0x2a: {  	s29 =	simm.s32 $0x1600;
	[smem:$0x7E4] =	sst s28  }
0x2b: {  	s30 =	simm.s32 $0x1680;
	[smem:$0x7E5] =	sst s29  }
0x2c: {  	s31 =	simm.s32 $0x1700;
	[smem:$0x7E6] =	sst s30  }
0x2d: {  	s8 =	simm.s32 $0x1800;
	[smem:$0x7E7] =	sst s31  }
0x2e: {  	s9 =	simm.s32 $0x1880;
	[smem:$0x7E9] =	sst s8  }
0x2f: {  	s10 =	simm.s32 $0x1900;
	[smem:$0x7EA] =	sst s9  }
0x30: {  	s11 =	simm.s32 $0x1980;
	[smem:$0x7EB] =	sst s10  }
0x31: {  	s12 =	simm.s32 $0x1A00;
	[smem:$0x7EC] =	sst s11  }
0x32: {  	s13 =	simm.s32 $0x1A80;
	[smem:$0x7ED] =	sst s12  }
0x33: {  	s6 =	sadd.s32 $0xF42800, s6;
	[smem:$0x7EE] =	sst s13  }
0x34: {  	s7 =	simm.s32 $0x1780;
	[dreg:$0x3] =	wrdreg s6  }
0x35: {  	s14 =	simm.s32 $0x1B00;
	[smem:$0x7E8] =	sst s7  }
0x36: {  	s15 =	simm.s32 $0x1B80;
	[smem:$0x7EF] =	sst s14  }
0x37: {  	s16 =	simm.s32 $0x1C00;
	[smem:$0x7F0] =	sst s15  }
0x38: {  	s17 =	simm.s32 $0x1C80;
	[smem:$0x7F1] =	sst s16  }
0x39: {  	s19 =	simm.s32 $0x1D00;
	[smem:$0x7F2] =	sst s17  }
0x3a: {  	s20 =	simm.s32 $0x1D80;
	[smem:$0x7F3] =	sst s19  }
0x3b: {  	s21 =	simm.s32 $0x1E00;
	[smem:$0x7F4] =	sst s20  }
0x3c: {  	s23 =	simm.s32 $0x1E80;
	[smem:$0x7F5] =	sst s21  }
0x3d: {  	s24 =	simm.s32 $0x1F00;
	[smem:$0x7F6] =	sst s23  }
0x3e: {  	s3 =	sadd.s32 $0x400, s3;
	s25 =	simm.s32 $0x1F80;
	[smem:$0x7F7] =	sst s24  }
0x3f: {  	s18 =	ssub.s32 $0x2, s5;
	s26 =	simm.s32 $0x2000;
	[smem:$0x7F8] =	sst s25  }
0x40: {  	s22 =	sshll.u32 s1, $0xA;
	s28 =	simm.s32 $0x2080;
	[smem:$0x7F9] =	sst s26  }
0x41: {  	s5 =	sshll.u32 s5, $0x9;
	s29 =	simm.s32 $0x2100;
	[smem:$0x7FA] =	sst s28  }
0x42: {  	s30 =	simm.s32 $0x2180;
	s31 =	simm.s32 $0x2200;
	[smem:$0x7FB] =	sst s29  }
0x43: {  	s9 =	simm.s32 $0x0;
	s8 =	sshrl.u32 s18, $0x1;
	[smem:$0x7FC] =	sst s30  }
0x44: {  	s5 =	sor.u32 s5, s22;
	s6 =	simm.s32 $0x2;
	[smem:$0x7FD] =	sst s31  }
0x45: {  	s7 =	ssub.s32 s18, s8;
	s5 =	sshrl.u32 s5, $0x3;
	s8 =	simm.s32 $0x1  }
0x46: {  	s4 =	sadd.s32 s4, s5;
	s5 =	smax.u32 s7, $0x1;
	s7 =	simm.s32 $0x280  }
.LBB2_1:
0x47: {  	[tilespmem:s2], [sflag:$0x2] =	stream.linear.gather [hbm4b:s4+s2], $0x200, $0x38;
	[tilespmem:$0x2280] =	vst v63  }
0x48: {  	_ =	swait.ge [sflag:s6], $0x200  }
0x49: {  	[sflag:s6] =	ssyncset.done $0x0  }
0x4a: {  	s10 =	simm.s32 $0x20;
	s11 =	simm.s32 $0x0;
	[sflag:s6] =	ssyncadd.s32 $0xFFFFFE00  }
.LBB2_2:
0x4b: {  	v0 =	vld [tilespmem:s10+$0xFFFFFFE0];
	_ =	sdelay $0x4  }
0x4c: {  	(v2sf) =	vpush v0, $0x0;
	_ =	sdelay $0xe  }
0x4d: {  	s12 =	spop (v2sf)  }
0x4e: {  	s12 =	sshll.u32 s12, $0x4  }
0x4f: {  	s12 =	sand.u32 $0x1FFFFFF0, s12  }
0x50: {  	s12 =	sadd.s32 s3, s12  }
0x51: {  	[tilespmem:s7], [sflag:$0x1] =	stream.linear.gather [hbm4b:s12+s2], $0x80, $0x38;
	[tilespmem:$0x2280] =	vst v63  }
0x52: {  	v61 =	vld [tilespmem:s10+$0xFFFFFFE1];
	_ =	sdelay $0x4  }
0x53: {  	(v2sf) =	vpush v61, $0x0;
	_ =	sdelay $0xe  }
0x54: {  	s31 =	spop (v2sf)  }
0x55: {  	s12 =	sshll.u32 s31, $0x4  }
0x56: {  	s12 =	sand.u32 $0x1FFFFFF0, s12  }
0x57: {  	s13 =	rddreg [dreg:$0x4];
	s12 =	sadd.s32 s3, s12  }
0x58: {  	[tilespmem:s13], [sflag:$0x1] =	stream.linear.gather [hbm4b:s12+s2], $0x80, $0x38;
	[tilespmem:$0x2280] =	vst v63  }
0x59: {  	v62 =	vld [tilespmem:s10+$0xFFFFFFE2];
	_ =	sdelay $0x4  }
0x5a: {  	(v2sf) =	vpush v62, $0x0;
	_ =	sdelay $0xe  }
0x5b: {  	s13 =	spop (v2sf)  }
0x5c: {  	s12 =	sshll.u32 s13, $0x4  }
0x5d: {  	s12 =	sand.u32 $0x1FFFFFF0, s12  }
0x5e: {  	s14 =	rddreg [dreg:$0x5];
	s12 =	sadd.s32 s3, s12  }
0x5f: {  	[tilespmem:s14], [sflag:$0x1] =	stream.linear.gather [hbm4b:s12+s2], $0x80, $0x38;
	[tilespmem:$0x2280] =	vst v63  }
0x60: {  	v63 =	vld [tilespmem:s10+$0xFFFFFFE3];
	_ =	sdelay $0x4  }
0x61: {  	(v2sf) =	vpush v63, $0x0;
	_ =	sdelay $0xe  }
0x62: {  	s15 =	spop (v2sf)  }
0x63: {  	s12 =	sshll.u32 s15, $0x4  }
0x64: {  	s12 =	sand.u32 $0x1FFFFFF0, s12  }
0x65: {  	s16 =	rddreg [dreg:$0x6];
	s12 =	sadd.s32 s3, s12  }
0x66: {  	[tilespmem:s16], [sflag:$0x1] =	stream.linear.gather [hbm4b:s12+s2], $0x80, $0x38;
	[tilespmem:$0x2280] =	vst v63  }
0x67: {  	v4 =	vld [tilespmem:s10+$0xFFFFFFE4];
	_ =	sdelay $0x4  }
0x68: {  	(v2sf) =	vpush v4, $0x0;
	_ =	sdelay $0xe  }
0x69: {  	s17 =	spop (v2sf)  }
0x6a: {  	s12 =	sshll.u32 s17, $0x4  }
0x6b: {  	s12 =	sand.u32 $0x1FFFFFF0, s12  }
0x6c: {  	s18 =	rddreg [dreg:$0x7];
	s12 =	sadd.s32 s3, s12  }
0x6d: {  	[tilespmem:s18], [sflag:$0x1] =	stream.linear.gather [hbm4b:s12+s2], $0x80, $0x38;
	[tilespmem:$0x2280] =	vst v63  }
0x6e: {  	v5 =	vld [tilespmem:s10+$0xFFFFFFE5];
	_ =	sdelay $0x4  }
0x6f: {  	(v2sf) =	vpush v5, $0x0;
	_ =	sdelay $0xe  }
0x70: {  	s19 =	spop (v2sf)  }
0x71: {  	s12 =	sshll.u32 s19, $0x4  }
0x72: {  	s12 =	sand.u32 $0x1FFFFFF0, s12  }
0x73: {  	s20 =	rddreg [dreg:$0x8];
	s12 =	sadd.s32 s3, s12  }
0x74: {  	[tilespmem:s20], [sflag:$0x1] =	stream.linear.gather [hbm4b:s12+s2], $0x80, $0x38;
	[tilespmem:$0x2280] =	vst v63  }
0x75: {  	v6 =	vld [tilespmem:s10+$0xFFFFFFE6];
	_ =	sdelay $0x4  }
0x76: {  	(v2sf) =	vpush v6, $0x0;
	_ =	sdelay $0xe  }
0x77: {  	s21 =	spop (v2sf)  }
0x78: {  	s12 =	sshll.u32 s21, $0x4  }
0x79: {  	s12 =	sand.u32 $0x1FFFFFF0, s12  }
0x7a: {  	s22 =	rddreg [dreg:$0x9];
	s12 =	sadd.s32 s3, s12  }
0x7b: {  	[tilespmem:s22], [sflag:$0x1] =	stream.linear.gather [hbm4b:s12+s2], $0x80, $0x38;
	[tilespmem:$0x2280] =	vst v63  }
0x7c: {  	v7 =	vld [tilespmem:s10+$0xFFFFFFE7];
	_ =	sdelay $0x4  }
0x7d: {  	(v2sf) =	vpush v7, $0x0;
	_ =	sdelay $0xe  }
0x7e: {  	s23 =	spop (v2sf)  }
0x7f: {  	s12 =	sshll.u32 s23, $0x4  }
0x80: {  	s12 =	sand.u32 $0x1FFFFFF0, s12  }
0x81: {  	s24 =	rddreg [dreg:$0xa];
	s12 =	sadd.s32 s3, s12  }
0x82: {  	[tilespmem:s24], [sflag:$0x1] =	stream.linear.gather [hbm4b:s12+s2], $0x80, $0x38;
	[tilespmem:$0x2280] =	vst v63  }
0x83: {  	v8 =	vld [tilespmem:s10+$0xFFFFFFE8];
	_ =	sdelay $0x4  }
0x84: {  	(v2sf) =	vpush v8, $0x0;
	_ =	sdelay $0xe  }
0x85: {  	s25 =	spop (v2sf)  }
0x86: {  	s12 =	sshll.u32 s25, $0x4  }
0x87: {  	s12 =	sand.u32 $0x1FFFFFF0, s12  }
0x88: {  	s26 =	rddreg [dreg:$0xb];
	s12 =	sadd.s32 s3, s12  }
0x89: {  	[tilespmem:s26], [sflag:$0x1] =	stream.linear.gather [hbm4b:s12+s2], $0x80, $0x38;
	[tilespmem:$0x2280] =	vst v63  }
0x8a: {  	v9 =	vld [tilespmem:s10+$0xFFFFFFE9];
	_ =	sdelay $0x4  }
0x8b: {  	(v2sf) =	vpush v9, $0x0;
	_ =	sdelay $0xe  }
0x8c: {  	s28 =	spop (v2sf)  }
0x8d: {  	s12 =	sshll.u32 s28, $0x4  }
0x8e: {  	s12 =	sand.u32 $0x1FFFFFF0, s12  }
0x8f: {  	s29 =	rddreg [dreg:$0xc];
	s12 =	sadd.s32 s3, s12  }
0x90: {  	[tilespmem:s29], [sflag:$0x1] =	stream.linear.gather [hbm4b:s12+s2], $0x80, $0x38;
	[tilespmem:$0x2280] =	vst v63  }
0x91: {  	v10 =	vld [tilespmem:s10+$0xFFFFFFEA];
	_ =	sdelay $0x4  }
0x92: {  	(v2sf) =	vpush v10, $0x0;
	_ =	sdelay $0xe  }
0x93: {  	s30 =	spop (v2sf)  }
0x94: {  	s12 =	sshll.u32 s30, $0x4  }
0x95: {  	s12 =	sand.u32 $0x1FFFFFF0, s12  }
0x96: {  	s31 =	rddreg [dreg:$0xd];
	s12 =	sadd.s32 s3, s12  }
0x97: {  	[tilespmem:s31], [sflag:$0x1] =	stream.linear.gather [hbm4b:s12+s2], $0x80, $0x38;
	[tilespmem:$0x2280] =	vst v63  }
0x98: {  	v11 =	vld [tilespmem:s10+$0xFFFFFFEB];
	_ =	sdelay $0x4  }
0x99: {  	(v2sf) =	vpush v11, $0x0;
	_ =	sdelay $0xe  }
0x9a: {  	s13 =	spop (v2sf)  }
0x9b: {  	s12 =	sshll.u32 s13, $0x4  }
0x9c: {  	s12 =	sand.u32 $0x1FFFFFF0, s12  }
0x9d: {  	s14 =	rddreg [dreg:$0xe];
	s12 =	sadd.s32 s3, s12  }
0x9e: {  	[tilespmem:s14], [sflag:$0x1] =	stream.linear.gather [hbm4b:s12+s2], $0x80, $0x38;
	[tilespmem:$0x2280] =	vst v63  }
0x9f: {  	v12 =	vld [tilespmem:s10+$0xFFFFFFEC];
	_ =	sdelay $0x4  }
0xa0: {  	(v2sf) =	vpush v12, $0x0;
	_ =	sdelay $0xe  }
0xa1: {  	s15 =	spop (v2sf)  }
0xa2: {  	s12 =	sshll.u32 s15, $0x4  }
0xa3: {  	s12 =	sand.u32 $0x1FFFFFF0, s12  }
0xa4: {  	s16 =	rddreg [dreg:$0xf];
	s12 =	sadd.s32 s3, s12  }
0xa5: {  	[tilespmem:s16], [sflag:$0x1] =	stream.linear.gather [hbm4b:s12+s2], $0x80, $0x38;
	[tilespmem:$0x2280] =	vst v63  }
0xa6: {  	v13 =	vld [tilespmem:s10+$0xFFFFFFED];
	_ =	sdelay $0x4  }
0xa7: {  	(v2sf) =	vpush v13, $0x0;
	_ =	sdelay $0xe  }
0xa8: {  	s17 =	spop (v2sf)  }
0xa9: {  	s12 =	sshll.u32 s17, $0x4  }
0xaa: {  	s12 =	sand.u32 $0x1FFFFFF0, s12  }
0xab: {  	s18 =	rddreg [dreg:$0x10];
	s12 =	sadd.s32 s3, s12  }
0xac: {  	[tilespmem:s18], [sflag:$0x1] =	stream.linear.gather [hbm4b:s12+s2], $0x80, $0x38;
	[tilespmem:$0x2280] =	vst v63  }
0xad: {  	v14 =	vld [tilespmem:s10+$0xFFFFFFEE];
	_ =	sdelay $0x4  }
0xae: {  	(v2sf) =	vpush v14, $0x0;
	_ =	sdelay $0xe  }
0xaf: {  	s19 =	spop (v2sf)  }
0xb0: {  	s12 =	sshll.u32 s19, $0x4  }
0xb1: {  	s12 =	sand.u32 $0x1FFFFFF0, s12  }
0xb2: {  	s20 =	rddreg [dreg:$0x11];
	s12 =	sadd.s32 s3, s12  }
0xb3: {  	[tilespmem:s20], [sflag:$0x1] =	stream.linear.gather [hbm4b:s12+s2], $0x80, $0x38;
	[tilespmem:$0x2280] =	vst v63  }
0xb4: {  	v15 =	vld [tilespmem:s10+$0xFFFFFFEF];
	_ =	sdelay $0x4  }
0xb5: {  	(v2sf) =	vpush v15, $0x0;
	_ =	sdelay $0xe  }
0xb6: {  	s21 =	spop (v2sf)  }
0xb7: {  	s12 =	sshll.u32 s21, $0x4  }
0xb8: {  	s12 =	sand.u32 $0x1FFFFFF0, s12  }
0xb9: {  	s22 =	rddreg [dreg:$0x12];
	s12 =	sadd.s32 s3, s12  }
0xba: {  	[tilespmem:s22], [sflag:$0x1] =	stream.linear.gather [hbm4b:s12+s2], $0x80, $0x38;
	[tilespmem:$0x2280] =	vst v63  }
0xbb: {  	v16 =	vld [tilespmem:s10+$0xFFFFFFF0];
	_ =	sdelay $0x4  }
0xbc: {  	(v2sf) =	vpush v16, $0x0;
	_ =	sdelay $0xe  }
0xbd: {  	s23 =	spop (v2sf)  }
0xbe: {  	s12 =	sshll.u32 s23, $0x4  }
0xbf: {  	s12 =	sand.u32 $0x1FFFFFF0, s12  }
0xc0: {  	s24 =	rddreg [dreg:$0x13];
	s12 =	sadd.s32 s3, s12  }
0xc1: {  	[tilespmem:s24], [sflag:$0x1] =	stream.linear.gather [hbm4b:s12+s2], $0x80, $0x38;
	[tilespmem:$0x2280] =	vst v63  }
0xc2: {  	v17 =	vld [tilespmem:s10+$0xFFFFFFF1];
	_ =	sdelay $0x4  }
0xc3: {  	(v2sf) =	vpush v17, $0x0;
	_ =	sdelay $0xe  }
0xc4: {  	s25 =	spop (v2sf)  }
0xc5: {  	s12 =	sshll.u32 s25, $0x4  }
0xc6: {  	s12 =	sand.u32 $0x1FFFFFF0, s12  }
0xc7: {  	s26 =	rddreg [dreg:$0x14];
	s12 =	sadd.s32 s3, s12  }
0xc8: {  	[tilespmem:s26], [sflag:$0x1] =	stream.linear.gather [hbm4b:s12+s2], $0x80, $0x38;
	[tilespmem:$0x2280] =	vst v63  }
0xc9: {  	v18 =	vld [tilespmem:s10+$0xFFFFFFF2];
	_ =	sdelay $0x4  }
0xca: {  	(v2sf) =	vpush v18, $0x0;
	_ =	sdelay $0xe  }
0xcb: {  	s28 =	spop (v2sf)  }
0xcc: {  	s12 =	sshll.u32 s28, $0x4  }
0xcd: {  	s12 =	sand.u32 $0x1FFFFFF0, s12  }
0xce: {  	s29 =	rddreg [dreg:$0x15];
	s12 =	sadd.s32 s3, s12  }
0xcf: {  	[tilespmem:s29], [sflag:$0x1] =	stream.linear.gather [hbm4b:s12+s2], $0x80, $0x38;
	[tilespmem:$0x2280] =	vst v63  }
0xd0: {  	v19 =	vld [tilespmem:s10+$0xFFFFFFF3];
	_ =	sdelay $0x4  }
0xd1: {  	(v2sf) =	vpush v19, $0x0;
	_ =	sdelay $0xe  }
0xd2: {  	s30 =	spop (v2sf)  }
0xd3: {  	s12 =	sshll.u32 s30, $0x4  }
0xd4: {  	s12 =	sand.u32 $0x1FFFFFF0, s12  }
0xd5: {  	s31 =	rddreg [dreg:$0x16];
	s12 =	sadd.s32 s3, s12  }
0xd6: {  	[tilespmem:s31], [sflag:$0x1] =	stream.linear.gather [hbm4b:s12+s2], $0x80, $0x38;
	[tilespmem:$0x2280] =	vst v63  }
0xd7: {  	v20 =	vld [tilespmem:s10+$0xFFFFFFF4];
	_ =	sdelay $0x4  }
0xd8: {  	(v2sf) =	vpush v20, $0x0;
	_ =	sdelay $0xe  }
0xd9: {  	s13 =	spop (v2sf)  }
0xda: {  	s12 =	sshll.u32 s13, $0x4  }
0xdb: {  	s12 =	sand.u32 $0x1FFFFFF0, s12  }
0xdc: {  	s14 =	rddreg [dreg:$0x17];
	s12 =	sadd.s32 s3, s12  }
0xdd: {  	[tilespmem:s14], [sflag:$0x1] =	stream.linear.gather [hbm4b:s12+s2], $0x80, $0x38;
	[tilespmem:$0x2280] =	vst v63  }
0xde: {  	v21 =	vld [tilespmem:s10+$0xFFFFFFF5];
	_ =	sdelay $0x4  }
0xdf: {  	(v2sf) =	vpush v21, $0x0;
	_ =	sdelay $0xe  }
0xe0: {  	s15 =	spop (v2sf)  }
0xe1: {  	s12 =	sshll.u32 s15, $0x4  }
0xe2: {  	s12 =	sand.u32 $0x1FFFFFF0, s12  }
0xe3: {  	s16 =	rddreg [dreg:$0x18];
	s12 =	sadd.s32 s3, s12  }
0xe4: {  	[tilespmem:s16], [sflag:$0x1] =	stream.linear.gather [hbm4b:s12+s2], $0x80, $0x38;
	[tilespmem:$0x2280] =	vst v63  }
0xe5: {  	v22 =	vld [tilespmem:s10+$0xFFFFFFF6];
	_ =	sdelay $0x4  }
0xe6: {  	(v2sf) =	vpush v22, $0x0;
	_ =	sdelay $0xe  }
0xe7: {  	s17 =	spop (v2sf)  }
0xe8: {  	s12 =	sshll.u32 s17, $0x4  }
0xe9: {  	s12 =	sand.u32 $0x1FFFFFF0, s12  }
0xea: {  	s18 =	rddreg [dreg:$0x19];
	s12 =	sadd.s32 s3, s12  }
0xeb: {  	[tilespmem:s18], [sflag:$0x1] =	stream.linear.gather [hbm4b:s12+s2], $0x80, $0x38;
	[tilespmem:$0x2280] =	vst v63  }
0xec: {  	v23 =	vld [tilespmem:s10+$0xFFFFFFF7];
	_ =	sdelay $0x4  }
0xed: {  	(v2sf) =	vpush v23, $0x0;
	_ =	sdelay $0xe  }
0xee: {  	s19 =	spop (v2sf)  }
0xef: {  	s12 =	sshll.u32 s19, $0x4  }
0xf0: {  	s12 =	sand.u32 $0x1FFFFFF0, s12  }
0xf1: {  	s20 =	rddreg [dreg:$0x1a];
	s12 =	sadd.s32 s3, s12  }
0xf2: {  	[tilespmem:s20], [sflag:$0x1] =	stream.linear.gather [hbm4b:s12+s2], $0x80, $0x38;
	[tilespmem:$0x2280] =	vst v63  }
0xf3: {  	v24 =	vld [tilespmem:s10+$0xFFFFFFF8];
	_ =	sdelay $0x4  }
0xf4: {  	(v2sf) =	vpush v24, $0x0;
	_ =	sdelay $0xe  }
0xf5: {  	s21 =	spop (v2sf)  }
0xf6: {  	s12 =	sshll.u32 s21, $0x4  }
0xf7: {  	s12 =	sand.u32 $0x1FFFFFF0, s12  }
0xf8: {  	s22 =	rddreg [dreg:$0x1b];
	s12 =	sadd.s32 s3, s12  }
0xf9: {  	[tilespmem:s22], [sflag:$0x1] =	stream.linear.gather [hbm4b:s12+s2], $0x80, $0x38;
	[tilespmem:$0x2280] =	vst v63  }
0xfa: {  	v25 =	vld [tilespmem:s10+$0xFFFFFFF9];
	_ =	sdelay $0x4  }
0xfb: {  	(v2sf) =	vpush v25, $0x0;
	_ =	sdelay $0xe  }
0xfc: {  	s23 =	spop (v2sf)  }
0xfd: {  	s12 =	sshll.u32 s23, $0x4  }
0xfe: {  	s12 =	sand.u32 $0x1FFFFFF0, s12  }
0xff: {  	s24 =	rddreg [dreg:$0x1c];
	s12 =	sadd.s32 s3, s12  }
0x100: {  	[tilespmem:s24], [sflag:$0x1] =	stream.linear.gather [hbm4b:s12+s2], $0x80, $0x38;
	[tilespmem:$0x2280] =	vst v63  }
0x101: {  	v26 =	vld [tilespmem:s10+$0xFFFFFFFA];
	_ =	sdelay $0x4  }
0x102: {  	(v2sf) =	vpush v26, $0x0;
	_ =	sdelay $0xe  }
0x103: {  	s25 =	spop (v2sf)  }
0x104: {  	s12 =	sshll.u32 s25, $0x4  }
0x105: {  	s12 =	sand.u32 $0x1FFFFFF0, s12  }
0x106: {  	s26 =	rddreg [dreg:$0x1d];
	s12 =	sadd.s32 s3, s12  }
0x107: {  	[tilespmem:s26], [sflag:$0x1] =	stream.linear.gather [hbm4b:s12+s2], $0x80, $0x38;
	[tilespmem:$0x2280] =	vst v63  }
0x108: {  	v27 =	vld [tilespmem:s10+$0xFFFFFFFB];
	_ =	sdelay $0x4  }
0x109: {  	(v2sf) =	vpush v27, $0x0;
	_ =	sdelay $0xe  }
0x10a: {  	s28 =	spop (v2sf)  }
0x10b: {  	s12 =	sshll.u32 s28, $0x4  }
0x10c: {  	s12 =	sand.u32 $0x1FFFFFF0, s12  }
0x10d: {  	s29 =	rddreg [dreg:$0x1e];
	s12 =	sadd.s32 s3, s12  }
0x10e: {  	[tilespmem:s29], [sflag:$0x1] =	stream.linear.gather [hbm4b:s12+s2], $0x80, $0x38;
	[tilespmem:$0x2280] =	vst v63  }
0x10f: {  	v28 =	vld [tilespmem:s10+$0xFFFFFFFC];
	_ =	sdelay $0x4  }
0x110: {  	(v2sf) =	vpush v28, $0x0;
	_ =	sdelay $0xe  }
0x111: {  	s30 =	spop (v2sf)  }
0x112: {  	s12 =	sshll.u32 s30, $0x4  }
0x113: {  	s12 =	sand.u32 $0x1FFFFFF0, s12  }
0x114: {  	s31 =	rddreg [dreg:$0x1f];
	s12 =	sadd.s32 s3, s12  }
0x115: {  	[tilespmem:s31], [sflag:$0x1] =	stream.linear.gather [hbm4b:s12+s2], $0x80, $0x38;
	[tilespmem:$0x2280] =	vst v63  }
0x116: {  	v29 =	vld [tilespmem:s10+$0xFFFFFFFD];
	_ =	sdelay $0x4  }
0x117: {  	(v2sf) =	vpush v29, $0x0;
	_ =	sdelay $0xe  }
0x118: {  	s13 =	spop (v2sf)  }
0x119: {  	s14 =	sld [smem:$0x7DB];
	s12 =	sshll.u32 s13, $0x4  }
0x11a: {  	s12 =	sand.u32 $0x1FFFFFF0, s12  }
0x11b: {  	s12 =	sadd.s32 s3, s12  }
0x11c: {  	[tilespmem:s14], [sflag:$0x1] =	stream.linear.gather [hbm4b:s12+s2], $0x80, $0x38;
	[tilespmem:$0x2280] =	vst v63  }
0x11d: {  	v30 =	vld [tilespmem:s10+$0xFFFFFFFE];
	_ =	sdelay $0x4  }
0x11e: {  	(v2sf) =	vpush v30, $0x0;
	_ =	sdelay $0xe  }
0x11f: {  	s15 =	spop (v2sf)  }
0x120: {  	s16 =	sld [smem:$0x7DC];
	s12 =	sshll.u32 s15, $0x4  }
0x121: {  	s12 =	sand.u32 $0x1FFFFFF0, s12  }
0x122: {  	s12 =	sadd.s32 s3, s12  }
0x123: {  	[tilespmem:s16], [sflag:$0x1] =	stream.linear.gather [hbm4b:s12+s2], $0x80, $0x38;
	[tilespmem:$0x2280] =	vst v63  }
0x124: {  	v31 =	vld [tilespmem:s10+$0xFFFFFFFF];
	_ =	sdelay $0x4  }
0x125: {  	(v2sf) =	vpush v31, $0x0;
	_ =	sdelay $0xe  }
0x126: {  	s17 =	spop (v2sf)  }
0x127: {  	s18 =	sld [smem:$0x7DD];
	s12 =	sshll.u32 s17, $0x4  }
0x128: {  	s12 =	sand.u32 $0x1FFFFFF0, s12  }
0x129: {  	s12 =	sadd.s32 s3, s12  }
0x12a: {  	[tilespmem:s18], [sflag:$0x1] =	stream.linear.gather [hbm4b:s12+s2], $0x80, $0x38;
	[tilespmem:$0x2280] =	vst v63  }
0x12b: {  	v32 =	vld [tilespmem:s10+$0x0];
	_ =	sdelay $0x4  }
0x12c: {  	(v2sf) =	vpush v32, $0x0;
	_ =	sdelay $0xe  }
0x12d: {  	s19 =	spop (v2sf)  }
0x12e: {  	s20 =	sld [smem:$0x7DE];
	s12 =	sshll.u32 s19, $0x4  }
0x12f: {  	s12 =	sand.u32 $0x1FFFFFF0, s12  }
0x130: {  	s12 =	sadd.s32 s3, s12  }
0x131: {  	[tilespmem:s20], [sflag:$0x1] =	stream.linear.gather [hbm4b:s12+s2], $0x80, $0x38;
	[tilespmem:$0x2280] =	vst v63  }
0x132: {  	v33 =	vld [tilespmem:s10+$0x1];
	_ =	sdelay $0x4  }
0x133: {  	(v2sf) =	vpush v33, $0x0;
	_ =	sdelay $0xe  }
0x134: {  	s21 =	spop (v2sf)  }
0x135: {  	s22 =	sld [smem:$0x7DF];
	s12 =	sshll.u32 s21, $0x4  }
0x136: {  	s12 =	sand.u32 $0x1FFFFFF0, s12  }
0x137: {  	s12 =	sadd.s32 s3, s12  }
0x138: {  	[tilespmem:s22], [sflag:$0x1] =	stream.linear.gather [hbm4b:s12+s2], $0x80, $0x38;
	[tilespmem:$0x2280] =	vst v63  }
0x139: {  	v34 =	vld [tilespmem:s10+$0x2];
	_ =	sdelay $0x4  }
0x13a: {  	(v2sf) =	vpush v34, $0x0;
	_ =	sdelay $0xe  }
0x13b: {  	s23 =	spop (v2sf)  }
0x13c: {  	s24 =	sld [smem:$0x7E0];
	s12 =	sshll.u32 s23, $0x4  }
0x13d: {  	s12 =	sand.u32 $0x1FFFFFF0, s12  }
0x13e: {  	s12 =	sadd.s32 s3, s12  }
0x13f: {  	[tilespmem:s24], [sflag:$0x1] =	stream.linear.gather [hbm4b:s12+s2], $0x80, $0x38;
	[tilespmem:$0x2280] =	vst v63  }
0x140: {  	v35 =	vld [tilespmem:s10+$0x3];
	_ =	sdelay $0x4  }
0x141: {  	(v2sf) =	vpush v35, $0x0;
	_ =	sdelay $0xe  }
0x142: {  	s25 =	spop (v2sf)  }
0x143: {  	s26 =	sld [smem:$0x7E1];
	s12 =	sshll.u32 s25, $0x4  }
0x144: {  	s12 =	sand.u32 $0x1FFFFFF0, s12  }
0x145: {  	s12 =	sadd.s32 s3, s12  }
0x146: {  	[tilespmem:s26], [sflag:$0x1] =	stream.linear.gather [hbm4b:s12+s2], $0x80, $0x38;
	[tilespmem:$0x2280] =	vst v63  }
0x147: {  	v36 =	vld [tilespmem:s10+$0x4];
	_ =	sdelay $0x4  }
0x148: {  	(v2sf) =	vpush v36, $0x0;
	_ =	sdelay $0xe  }
0x149: {  	s28 =	spop (v2sf)  }
0x14a: {  	s29 =	sld [smem:$0x7E2];
	s12 =	sshll.u32 s28, $0x4  }
0x14b: {  	s12 =	sand.u32 $0x1FFFFFF0, s12  }
0x14c: {  	s12 =	sadd.s32 s3, s12  }
0x14d: {  	[tilespmem:s29], [sflag:$0x1] =	stream.linear.gather [hbm4b:s12+s2], $0x80, $0x38;
	[tilespmem:$0x2280] =	vst v63  }
0x14e: {  	v37 =	vld [tilespmem:s10+$0x5];
	_ =	sdelay $0x4  }
0x14f: {  	(v2sf) =	vpush v37, $0x0;
	_ =	sdelay $0xe  }
0x150: {  	s30 =	spop (v2sf)  }
0x151: {  	s31 =	sld [smem:$0x7E3];
	s12 =	sshll.u32 s30, $0x4  }
0x152: {  	s12 =	sand.u32 $0x1FFFFFF0, s12  }
0x153: {  	s12 =	sadd.s32 s3, s12  }
0x154: {  	[tilespmem:s31], [sflag:$0x1] =	stream.linear.gather [hbm4b:s12+s2], $0x80, $0x38;
	[tilespmem:$0x2280] =	vst v63  }
0x155: {  	v38 =	vld [tilespmem:s10+$0x6];
	_ =	sdelay $0x4  }
0x156: {  	(v2sf) =	vpush v38, $0x0;
	_ =	sdelay $0xe  }
0x157: {  	s13 =	spop (v2sf)  }
0x158: {  	s14 =	sld [smem:$0x7E4];
	s12 =	sshll.u32 s13, $0x4  }
0x159: {  	s12 =	sand.u32 $0x1FFFFFF0, s12  }
0x15a: {  	s12 =	sadd.s32 s3, s12  }
0x15b: {  	[tilespmem:s14], [sflag:$0x1] =	stream.linear.gather [hbm4b:s12+s2], $0x80, $0x38;
	[tilespmem:$0x2280] =	vst v63  }
0x15c: {  	v39 =	vld [tilespmem:s10+$0x7];
	_ =	sdelay $0x4  }
0x15d: {  	(v2sf) =	vpush v39, $0x0;
	_ =	sdelay $0xe  }
0x15e: {  	s15 =	spop (v2sf)  }
0x15f: {  	s16 =	sld [smem:$0x7E5];
	s12 =	sshll.u32 s15, $0x4  }
0x160: {  	s12 =	sand.u32 $0x1FFFFFF0, s12  }
0x161: {  	s12 =	sadd.s32 s3, s12  }
0x162: {  	[tilespmem:s16], [sflag:$0x1] =	stream.linear.gather [hbm4b:s12+s2], $0x80, $0x38;
	[tilespmem:$0x2280] =	vst v63  }
0x163: {  	v40 =	vld [tilespmem:s10+$0x8];
	_ =	sdelay $0x4  }
0x164: {  	(v2sf) =	vpush v40, $0x0;
	_ =	sdelay $0xe  }
0x165: {  	s17 =	spop (v2sf)  }
0x166: {  	s18 =	sld [smem:$0x7E6];
	s12 =	sshll.u32 s17, $0x4  }
0x167: {  	s12 =	sand.u32 $0x1FFFFFF0, s12  }
0x168: {  	s12 =	sadd.s32 s3, s12  }
0x169: {  	[tilespmem:s18], [sflag:$0x1] =	stream.linear.gather [hbm4b:s12+s2], $0x80, $0x38;
	[tilespmem:$0x2280] =	vst v63  }
0x16a: {  	v41 =	vld [tilespmem:s10+$0x9];
	_ =	sdelay $0x4  }
0x16b: {  	(v2sf) =	vpush v41, $0x0;
	_ =	sdelay $0xe  }
0x16c: {  	s19 =	spop (v2sf)  }
0x16d: {  	s20 =	sld [smem:$0x7E7];
	s12 =	sshll.u32 s19, $0x4  }
0x16e: {  	s12 =	sand.u32 $0x1FFFFFF0, s12  }
0x16f: {  	s12 =	sadd.s32 s3, s12  }
0x170: {  	[tilespmem:s20], [sflag:$0x1] =	stream.linear.gather [hbm4b:s12+s2], $0x80, $0x38;
	[tilespmem:$0x2280] =	vst v63  }
0x171: {  	v42 =	vld [tilespmem:s10+$0xA];
	_ =	sdelay $0x4  }
0x172: {  	(v2sf) =	vpush v42, $0x0;
	_ =	sdelay $0xe  }
0x173: {  	s21 =	spop (v2sf)  }
0x174: {  	s22 =	sld [smem:$0x7E8];
	s12 =	sshll.u32 s21, $0x4  }
0x175: {  	s12 =	sand.u32 $0x1FFFFFF0, s12  }
0x176: {  	s12 =	sadd.s32 s3, s12  }
0x177: {  	[tilespmem:s22], [sflag:$0x1] =	stream.linear.gather [hbm4b:s12+s2], $0x80, $0x38;
	[tilespmem:$0x2280] =	vst v63  }
0x178: {  	v43 =	vld [tilespmem:s10+$0xB];
	_ =	sdelay $0x4  }
0x179: {  	(v2sf) =	vpush v43, $0x0;
	_ =	sdelay $0xe  }
0x17a: {  	s23 =	spop (v2sf)  }
0x17b: {  	s24 =	sld [smem:$0x7E9];
	s12 =	sshll.u32 s23, $0x4  }
0x17c: {  	s12 =	sand.u32 $0x1FFFFFF0, s12  }
0x17d: {  	s12 =	sadd.s32 s3, s12  }
0x17e: {  	[tilespmem:s24], [sflag:$0x1] =	stream.linear.gather [hbm4b:s12+s2], $0x80, $0x38;
	[tilespmem:$0x2280] =	vst v63  }
0x17f: {  	v44 =	vld [tilespmem:s10+$0xC];
	_ =	sdelay $0x4  }
0x180: {  	(v2sf) =	vpush v44, $0x0;
	_ =	sdelay $0xe  }
0x181: {  	s25 =	spop (v2sf)  }
0x182: {  	s26 =	sld [smem:$0x7EA];
	s12 =	sshll.u32 s25, $0x4  }
0x183: {  	s12 =	sand.u32 $0x1FFFFFF0, s12  }
0x184: {  	s12 =	sadd.s32 s3, s12  }
0x185: {  	[tilespmem:s26], [sflag:$0x1] =	stream.linear.gather [hbm4b:s12+s2], $0x80, $0x38;
	[tilespmem:$0x2280] =	vst v63  }
0x186: {  	v45 =	vld [tilespmem:s10+$0xD];
	_ =	sdelay $0x4  }
0x187: {  	(v2sf) =	vpush v45, $0x0;
	_ =	sdelay $0xe  }
0x188: {  	s28 =	spop (v2sf)  }
0x189: {  	s29 =	sld [smem:$0x7EB];
	s12 =	sshll.u32 s28, $0x4  }
0x18a: {  	s12 =	sand.u32 $0x1FFFFFF0, s12  }
0x18b: {  	s12 =	sadd.s32 s3, s12  }
0x18c: {  	[tilespmem:s29], [sflag:$0x1] =	stream.linear.gather [hbm4b:s12+s2], $0x80, $0x38;
	[tilespmem:$0x2280] =	vst v63  }
0x18d: {  	v46 =	vld [tilespmem:s10+$0xE];
	_ =	sdelay $0x4  }
0x18e: {  	(v2sf) =	vpush v46, $0x0;
	_ =	sdelay $0xe  }
0x18f: {  	s30 =	spop (v2sf)  }
0x190: {  	s31 =	sld [smem:$0x7EC];
	s12 =	sshll.u32 s30, $0x4  }
0x191: {  	s12 =	sand.u32 $0x1FFFFFF0, s12  }
0x192: {  	s12 =	sadd.s32 s3, s12  }
0x193: {  	[tilespmem:s31], [sflag:$0x1] =	stream.linear.gather [hbm4b:s12+s2], $0x80, $0x38;
	[tilespmem:$0x2280] =	vst v63  }
0x194: {  	v47 =	vld [tilespmem:s10+$0xF];
	_ =	sdelay $0x4  }
0x195: {  	(v2sf) =	vpush v47, $0x0;
	_ =	sdelay $0xe  }
0x196: {  	s13 =	spop (v2sf)  }
0x197: {  	s14 =	sld [smem:$0x7ED];
	s12 =	sshll.u32 s13, $0x4  }
0x198: {  	s12 =	sand.u32 $0x1FFFFFF0, s12  }
0x199: {  	s12 =	sadd.s32 s3, s12  }
0x19a: {  	[tilespmem:s14], [sflag:$0x1] =	stream.linear.gather [hbm4b:s12+s2], $0x80, $0x38;
	[tilespmem:$0x2280] =	vst v63  }
0x19b: {  	v48 =	vld [tilespmem:s10+$0x10];
	_ =	sdelay $0x4  }
0x19c: {  	(v2sf) =	vpush v48, $0x0;
	_ =	sdelay $0xe  }
0x19d: {  	s15 =	spop (v2sf)  }
0x19e: {  	s16 =	sld [smem:$0x7EE];
	s12 =	sshll.u32 s15, $0x4  }
0x19f: {  	s12 =	sand.u32 $0x1FFFFFF0, s12  }
0x1a0: {  	s12 =	sadd.s32 s3, s12  }
0x1a1: {  	[tilespmem:s16], [sflag:$0x1] =	stream.linear.gather [hbm4b:s12+s2], $0x80, $0x38;
	[tilespmem:$0x2280] =	vst v63  }
0x1a2: {  	v49 =	vld [tilespmem:s10+$0x11];
	_ =	sdelay $0x4  }
0x1a3: {  	(v2sf) =	vpush v49, $0x0;
	_ =	sdelay $0xe  }
0x1a4: {  	s17 =	spop (v2sf)  }
0x1a5: {  	s18 =	sld [smem:$0x7EF];
	s12 =	sshll.u32 s17, $0x4  }
0x1a6: {  	s12 =	sand.u32 $0x1FFFFFF0, s12  }
0x1a7: {  	s12 =	sadd.s32 s3, s12  }
0x1a8: {  	[tilespmem:s18], [sflag:$0x1] =	stream.linear.gather [hbm4b:s12+s2], $0x80, $0x38;
	[tilespmem:$0x2280] =	vst v63  }
0x1a9: {  	v50 =	vld [tilespmem:s10+$0x12];
	_ =	sdelay $0x4  }
0x1aa: {  	(v2sf) =	vpush v50, $0x0;
	_ =	sdelay $0xe  }
0x1ab: {  	s19 =	spop (v2sf)  }
0x1ac: {  	s20 =	sld [smem:$0x7F0];
	s12 =	sshll.u32 s19, $0x4  }
0x1ad: {  	s12 =	sand.u32 $0x1FFFFFF0, s12  }
0x1ae: {  	s12 =	sadd.s32 s3, s12  }
0x1af: {  	[tilespmem:s20], [sflag:$0x1] =	stream.linear.gather [hbm4b:s12+s2], $0x80, $0x38;
	[tilespmem:$0x2280] =	vst v63  }
0x1b0: {  	v51 =	vld [tilespmem:s10+$0x13];
	_ =	sdelay $0x4  }
0x1b1: {  	(v2sf) =	vpush v51, $0x0;
	_ =	sdelay $0xe  }
0x1b2: {  	s21 =	spop (v2sf)  }
0x1b3: {  	s22 =	sld [smem:$0x7F1];
	s12 =	sshll.u32 s21, $0x4  }
0x1b4: {  	s12 =	sand.u32 $0x1FFFFFF0, s12  }
0x1b5: {  	s12 =	sadd.s32 s3, s12  }
0x1b6: {  	[tilespmem:s22], [sflag:$0x1] =	stream.linear.gather [hbm4b:s12+s2], $0x80, $0x38;
	[tilespmem:$0x2280] =	vst v63  }
0x1b7: {  	v52 =	vld [tilespmem:s10+$0x14];
	_ =	sdelay $0x4  }
0x1b8: {  	(v2sf) =	vpush v52, $0x0;
	_ =	sdelay $0xe  }
0x1b9: {  	s23 =	spop (v2sf)  }
0x1ba: {  	s24 =	sld [smem:$0x7F2];
	s12 =	sshll.u32 s23, $0x4  }
0x1bb: {  	s12 =	sand.u32 $0x1FFFFFF0, s12  }
0x1bc: {  	s12 =	sadd.s32 s3, s12  }
0x1bd: {  	[tilespmem:s24], [sflag:$0x1] =	stream.linear.gather [hbm4b:s12+s2], $0x80, $0x38;
	[tilespmem:$0x2280] =	vst v63  }
0x1be: {  	v53 =	vld [tilespmem:s10+$0x15];
	_ =	sdelay $0x4  }
0x1bf: {  	(v2sf) =	vpush v53, $0x0;
	_ =	sdelay $0xe  }
0x1c0: {  	s25 =	spop (v2sf)  }
0x1c1: {  	s26 =	sld [smem:$0x7F3];
	s12 =	sshll.u32 s25, $0x4  }
0x1c2: {  	s12 =	sand.u32 $0x1FFFFFF0, s12  }
0x1c3: {  	s12 =	sadd.s32 s3, s12  }
0x1c4: {  	[tilespmem:s26], [sflag:$0x1] =	stream.linear.gather [hbm4b:s12+s2], $0x80, $0x38;
	[tilespmem:$0x2280] =	vst v63  }
0x1c5: {  	v54 =	vld [tilespmem:s10+$0x16];
	_ =	sdelay $0x4  }
0x1c6: {  	(v2sf) =	vpush v54, $0x0;
	_ =	sdelay $0xe  }
0x1c7: {  	s28 =	spop (v2sf)  }
0x1c8: {  	s29 =	sld [smem:$0x7F4];
	s12 =	sshll.u32 s28, $0x4  }
0x1c9: {  	s12 =	sand.u32 $0x1FFFFFF0, s12  }
0x1ca: {  	s12 =	sadd.s32 s3, s12  }
0x1cb: {  	[tilespmem:s29], [sflag:$0x1] =	stream.linear.gather [hbm4b:s12+s2], $0x80, $0x38;
	[tilespmem:$0x2280] =	vst v63  }
0x1cc: {  	v55 =	vld [tilespmem:s10+$0x17];
	_ =	sdelay $0x4  }
0x1cd: {  	(v2sf) =	vpush v55, $0x0;
	_ =	sdelay $0xe  }
0x1ce: {  	s30 =	spop (v2sf)  }
0x1cf: {  	s31 =	sld [smem:$0x7F5];
	s12 =	sshll.u32 s30, $0x4  }
0x1d0: {  	s12 =	sand.u32 $0x1FFFFFF0, s12  }
0x1d1: {  	s12 =	sadd.s32 s3, s12  }
0x1d2: {  	[tilespmem:s31], [sflag:$0x1] =	stream.linear.gather [hbm4b:s12+s2], $0x80, $0x38;
	[tilespmem:$0x2280] =	vst v63  }
0x1d3: {  	v56 =	vld [tilespmem:s10+$0x18];
	_ =	sdelay $0x4  }
0x1d4: {  	(v2sf) =	vpush v56, $0x0;
	_ =	sdelay $0xe  }
0x1d5: {  	s14 =	spop (v2sf)  }
0x1d6: {  	s15 =	sld [smem:$0x7F6];
	s12 =	sshll.u32 s14, $0x4  }
0x1d7: {  	s12 =	sand.u32 $0x1FFFFFF0, s12  }
0x1d8: {  	s12 =	sadd.s32 s3, s12  }
0x1d9: {  	[tilespmem:s15], [sflag:$0x1] =	stream.linear.gather [hbm4b:s12+s2], $0x80, $0x38;
	[tilespmem:$0x2280] =	vst v63  }
0x1da: {  	v57 =	vld [tilespmem:s10+$0x19];
	_ =	sdelay $0x4  }
0x1db: {  	(v2sf) =	vpush v57, $0x0;
	_ =	sdelay $0xe  }
0x1dc: {  	s16 =	spop (v2sf)  }
0x1dd: {  	s17 =	sld [smem:$0x7F7];
	s12 =	sshll.u32 s16, $0x4  }
0x1de: {  	s12 =	sand.u32 $0x1FFFFFF0, s12  }
0x1df: {  	s12 =	sadd.s32 s3, s12  }
0x1e0: {  	[tilespmem:s17], [sflag:$0x1] =	stream.linear.gather [hbm4b:s12+s2], $0x80, $0x38;
	[tilespmem:$0x2280] =	vst v63  }
0x1e1: {  	v58 =	vld [tilespmem:s10+$0x1A];
	_ =	sdelay $0x4  }
0x1e2: {  	(v2sf) =	vpush v58, $0x0;
	_ =	sdelay $0xe  }
0x1e3: {  	s18 =	spop (v2sf)  }
0x1e4: {  	s19 =	sld [smem:$0x7F8];
	s12 =	sshll.u32 s18, $0x4  }
0x1e5: {  	s12 =	sand.u32 $0x1FFFFFF0, s12  }
0x1e6: {  	s12 =	sadd.s32 s3, s12  }
0x1e7: {  	[tilespmem:s19], [sflag:$0x1] =	stream.linear.gather [hbm4b:s12+s2], $0x80, $0x38;
	[tilespmem:$0x2280] =	vst v63  }
0x1e8: {  	v59 =	vld [tilespmem:s10+$0x1B];
	_ =	sdelay $0x4  }
0x1e9: {  	(v2sf) =	vpush v59, $0x0;
	_ =	sdelay $0xe  }
0x1ea: {  	s20 =	spop (v2sf)  }
0x1eb: {  	s21 =	sld [smem:$0x7F9];
	s12 =	sshll.u32 s20, $0x4  }
0x1ec: {  	s12 =	sand.u32 $0x1FFFFFF0, s12  }
0x1ed: {  	s12 =	sadd.s32 s3, s12  }
0x1ee: {  	[tilespmem:s21], [sflag:$0x1] =	stream.linear.gather [hbm4b:s12+s2], $0x80, $0x38;
	[tilespmem:$0x2280] =	vst v63  }
0x1ef: {  	v60 =	vld [tilespmem:s10+$0x1C];
	_ =	sdelay $0x4  }
0x1f0: {  	(v2sf) =	vpush v60, $0x0;
	_ =	sdelay $0xe  }
0x1f1: {  	s22 =	spop (v2sf)  }
0x1f2: {  	s23 =	sld [smem:$0x7FA];
	s12 =	sshll.u32 s22, $0x4  }
0x1f3: {  	s12 =	sand.u32 $0x1FFFFFF0, s12  }
0x1f4: {  	s12 =	sadd.s32 s3, s12  }
0x1f5: {  	[tilespmem:s23], [sflag:$0x1] =	stream.linear.gather [hbm4b:s12+s2], $0x80, $0x38;
	[tilespmem:$0x2280] =	vst v63  }
0x1f6: {  	v61 =	vld [tilespmem:s10+$0x1D];
	_ =	sdelay $0x4  }
0x1f7: {  	(v2sf) =	vpush v61, $0x0;
	_ =	sdelay $0xe  }
0x1f8: {  	s24 =	spop (v2sf)  }
0x1f9: {  	s25 =	sld [smem:$0x7FB];
	s12 =	sshll.u32 s24, $0x4  }
0x1fa: {  	s12 =	sand.u32 $0x1FFFFFF0, s12  }
0x1fb: {  	s12 =	sadd.s32 s3, s12  }
0x1fc: {  	[tilespmem:s25], [sflag:$0x1] =	stream.linear.gather [hbm4b:s12+s2], $0x80, $0x38;
	[tilespmem:$0x2280] =	vst v63  }
0x1fd: {  	v62 =	vld [tilespmem:s10+$0x1E];
	_ =	sdelay $0x4  }
0x1fe: {  	(v2sf) =	vpush v62, $0x0;
	_ =	sdelay $0xe  }
0x1ff: {  	s26 =	spop (v2sf)  }
0x200: {  	s28 =	sld [smem:$0x7FC];
	s12 =	sshll.u32 s26, $0x4  }
0x201: {  	s12 =	sand.u32 $0x1FFFFFF0, s12  }
0x202: {  	s12 =	sadd.s32 s3, s12  }
0x203: {  	[tilespmem:s28], [sflag:$0x1] =	stream.linear.gather [hbm4b:s12+s2], $0x80, $0x38;
	[tilespmem:$0x2280] =	vst v63  }
0x204: {  	v63 =	vld [tilespmem:s10+$0x1F];
	_ =	sdelay $0x4  }
0x205: {  	(v2sf) =	vpush v63, $0x0;
	_ =	sdelay $0xe  }
0x206: {  	s29 =	spop (v2sf)  }
0x207: {  	s30 =	sld [smem:$0x7FD];
	s12 =	sshll.u32 s29, $0x4  }
0x208: {  	s12 =	sand.u32 $0x1FFFFFF0, s12  }
0x209: {  	s12 =	sadd.s32 s3, s12  }
0x20a: {  	[tilespmem:s30], [sflag:$0x1] =	stream.linear.gather [hbm4b:s12+s2], $0x80, $0x38;
	[tilespmem:$0x2280] =	vst v63  }
0x20b: {  	_ =	swait.ge [sflag:s8], $0x2000  }
0x20c: {  	p0 =	sne.s32 s11, $0x1C00;
	s31 =	rddreg [dreg:$0x3];
	[sflag:s8] =	ssyncset.done $0x0  }
.Ltmp0:
0x20d: {  	[sflag:s8] =	ssyncadd.s32 $0xFFFFE000;
	s12 =	sadd.s32 s11, s31;
	(pc) =	sbr.rel @p0 .LBB2_2-.Ltmp0, $4  }
0x20e: {  	[hbm4b:s12+s2] =	stream.linear.scatter [tilespmem:s7], [sflag:$0x2], $0x2000, $0x38;
	[tilespmem:$0x2280] =	vst v63  }
0x20f: {  	_ =	swait.ge [sflag:s6], $0x2000  }
0x210: {  	[sflag:s6] =	ssyncset.done $0x0  }
0x211: {  	s10 =	sadd.s32 $0x40, s10;
	s11 =	sadd.s32 $0x400, s11;
	[sflag:s6] =	ssyncadd.s32 $0xFFFFE000  }
0x212: {  	s9 =	sadd.s32 $0x1, s9  }
0x213: {  	p0 =	sne.s32 s9, s5  }
.Ltmp1:
0x214: {  	_ = 	snop;
	(pc) =	sbr.rel @p0 .LBB2_1-.Ltmp1, $1  }
0x215: {  	_ =	sdelay $0x3  }
0x216: {  	_ =	sfence.sel $0x180000  }
0x217: {  	[bflag:$0x0] =	sbarrier.arrive $0xFFFF  }
0x218: {  	p0 =	sne.s32 s1, $0x0;
	_ =	strace $0x90000047  }
0x219: {  	s0 =	sadd.s32 @!p0 $0x100000, s0;
	[bflag:$0x2] =	sbarrier.arrive $0xFFFF  }
0x21a: {  	[sflag:s0] =	ssyncadd.tile.s32 @!p0 $0x1;
	_ =	shalt  }
.Lfunc_end2:
_tile_overlayer_lowered:
.L_overlay_start_2:
0x21b: {  	(tag) =	ssettag $0x2  }
0x21c: {  	s0 =	rddreg [dreg:$0x0];
	s2 =	stileid.u32  }
0x21d: {  	s1 =	rddreg [dreg:$0x1];
	p0 =	sne.s32 s2, $0x0  }
0x21e: {  	s3 =	rddreg [dreg:$0x2];
	[bflag:$0x3] =	sbarrier.arrive $0xFFFF;
	s2 =	simm.s32 @!p0 $0x1C02  }
0x21f: {  	[timem:s3], [sflag:s2] =	dma.local @!p0 [hbm:s0], s1  }
0x220: {  	s0 =	simm.s32 @!p0 $0x2  }
0x221: {  	_ =	swait.ge @!p0 [sflag:s0], s1  }
0x222: {  	s1 =	ssub.s32 @!p0 $0x0, s1;
	[sflag:s0] =	ssyncset.done @!p0 $0x0  }
0x223: {  	[sflag:s0] =	ssyncadd.s32 @!p0 s1  }
0x224: {  	[bflag:$0x3] =	sbarrier.arrive $0xFFFF  }
0x225: {  	_ =	shalt  }

</sc_bundles>
